<compile_context>
chip_gen: v7x
topology: tpu7x:2x2x1
jax: 0.10.2.dev20260603
libtpu: 0.0.44.dev20260713+nightly
codegen_flags: <defaults>
</compile_context>

<pallas_src>
import functools

import jax
import jax.numpy as jnp
from jax import lax
from jax.experimental import pallas as pl
from jax.experimental.pallas import tpu as pltpu
from jax.experimental.pallas import tpu_sc as plsc

EPS = 1e-5
LANES = 16
K = 128
CH = 128

_SC_PARAMS = pltpu.CompilerParams(
    needs_layout_passes=False, use_tc_tiling_on_sc=False)


def _sc_geometry():
    try:
        info = plsc.get_sparse_core_info()
        return int(info.num_cores), int(info.num_subcores)
    except Exception:
        return 2, 16


def _make_degree_kernel(NC, NSUB, NP, EPW):
    NW = NC * NSUB
    mesh = plsc.VectorSubcoreMesh(core_axis_name="c", subcore_axis_name="s")

    @functools.partial(
        pl.kernel,
        mesh=mesh,
        out_type=jax.ShapeDtypeStruct((NW, NP), jnp.float32),
        scratch_types=[
            pltpu.VMEM((EPW,), jnp.int32),
            pltpu.VMEM((NP,), jnp.float32),
        ],
        compiler_params=_SC_PARAMS,
    )
    def deg_kernel(dst_hbm, zeros_hbm, out_hbm, dst_v, hist_v):
        c = lax.axis_index("c")
        s = lax.axis_index("s")
        w = c * NSUB + s
        pltpu.sync_copy(dst_hbm.at[w], dst_v)
        pltpu.sync_copy(zeros_hbm, hist_v)
        ones = jnp.ones((LANES,), jnp.float32)

        def body(i, carry):
            idx = dst_v[pl.ds(i * LANES, LANES)]
            plsc.addupdate_scatter(hist_v, [idx], ones)
            return carry

        lax.fori_loop(0, EPW // LANES, body, 0)
        pltpu.sync_copy(hist_v, out_hbm.at[w])

    return deg_kernel


def _stream_agg(h_ref, src_v, dst_v, rows0, acc_sh, g0, NB):
    def body(j, carry):
        pltpu.async_copy(h_ref.at[src_v.at[j]], rows0, g0).wait()
        pltpu.sync_copy(rows0, acc_sh.at[dst_v.at[j]], add=True)
        return carry

    lax.fori_loop(0, NB, body, 0)


def _agg_scratch(NB, D, NP):
    return [
        pltpu.VMEM((NB, K), jnp.int32),
        pltpu.VMEM((NB, K), jnp.int32),
        pltpu.VMEM((K, D), jnp.float32),
        pltpu.VMEM((CH, D), jnp.float32),
        pltpu.VMEM_SHARED((NP, D), jnp.float32),
        pltpu.SemaphoreType.DMA,
    ]


def _make_agg_colsplit_kernel(NC, NSUB, NP, D, NB):
    RPT = NP // NSUB
    NCH = RPT // CH
    mesh = plsc.VectorSubcoreMesh(core_axis_name="c", subcore_axis_name="s")

    @functools.partial(
        pl.kernel,
        mesh=mesh,
        out_type=jax.ShapeDtypeStruct((NC, NP, D), jnp.float32),
        scratch_types=_agg_scratch(NB, D, NP),
        compiler_params=_SC_PARAMS,
    )
    def agg_kernel(src_hbm, dst_hbm, hsa_hbm, hsb_hbm, zrows_hbm, out_hbm,
                   src_v, dst_v, rows0, bounce_v, acc_sh, g0):
        c = lax.axis_index("c")
        s = lax.axis_index("s")
        pltpu.sync_copy(src_hbm.at[s], src_v)
        pltpu.sync_copy(dst_hbm.at[s], dst_v)
        pltpu.sync_copy(zrows_hbm, bounce_v)
        for k in range(NCH):
            pltpu.sync_copy(bounce_v, acc_sh.at[pl.ds(s * RPT + k * CH, CH)])
        plsc.subcore_barrier()

        @pl.when(c == 0)
        def _():
            _stream_agg(hsa_hbm, src_v, dst_v, rows0, acc_sh, g0, NB)

        @pl.when(c != 0)
        def _():
            _stream_agg(hsb_hbm, src_v, dst_v, rows0, acc_sh, g0, NB)

        plsc.subcore_barrier()
        for k in range(NCH):
            pltpu.sync_copy(acc_sh.at[pl.ds(s * RPT + k * CH, CH)], bounce_v)
            pltpu.sync_copy(bounce_v, out_hbm.at[c, pl.ds(s * RPT + k * CH, CH)])

    return agg_kernel


def _make_agg_kernel(NC, NSUB, NP, D, NB):
    RPT = NP // NSUB
    NCH = RPT // CH
    mesh = plsc.VectorSubcoreMesh(core_axis_name="c", subcore_axis_name="s")

    @functools.partial(
        pl.kernel,
        mesh=mesh,
        out_type=jax.ShapeDtypeStruct((NC, NP, D), jnp.float32),
        scratch_types=_agg_scratch(NB, D, NP),
        compiler_params=_SC_PARAMS,
    )
    def agg_kernel(src_hbm, dst_hbm, hs_hbm, zrows_hbm, out_hbm,
                   src_v, dst_v, rows0, bounce_v, acc_sh, g0):
        c = lax.axis_index("c")
        s = lax.axis_index("s")
        w = c * NSUB + s
        pltpu.sync_copy(src_hbm.at[w], src_v)
        pltpu.sync_copy(dst_hbm.at[w], dst_v)
        pltpu.sync_copy(zrows_hbm, bounce_v)
        for k in range(NCH):
            pltpu.sync_copy(bounce_v, acc_sh.at[pl.ds(s * RPT + k * CH, CH)])
        plsc.subcore_barrier()

        _stream_agg(hs_hbm, src_v, dst_v, rows0, acc_sh, g0, NB)
        plsc.subcore_barrier()
        for k in range(NCH):
            pltpu.sync_copy(acc_sh.at[pl.ds(s * RPT + k * CH, CH)], bounce_v)
            pltpu.sync_copy(bounce_v, out_hbm.at[c, pl.ds(s * RPT + k * CH, CH)])

    return agg_kernel


def _tc_deg_matmul(x_p, W, cvec, hists, NW, BR):
    NP, Din = x_p.shape
    Dout = W.shape[1]
    DH = Dout // 2

    def body(x_ref, w_ref, c_ref, h_ref, hsa_ref, hsb_ref, dinv_ref):
        deg = jnp.sum(h_ref[...], axis=0) + 1.0
        dinv = lax.rsqrt(deg)[:, None]
        h = jnp.dot(x_ref[...], w_ref[...], preferred_element_type=jnp.float32)
        hs = h * c_ref[...] * dinv
        hsa_ref[...] = hs[:, :DH]
        hsb_ref[...] = hs[:, DH:]
        dinv_ref[...] = dinv

    return pl.pallas_call(
        body,
        grid=(NP // BR,),
        in_specs=[
            pl.BlockSpec((BR, Din), lambda i: (i, 0)),
            pl.BlockSpec((Din, Dout), lambda i: (0, 0)),
            pl.BlockSpec((1, Dout), lambda i: (0, 0)),
            pl.BlockSpec((NW, BR), lambda i: (0, i)),
        ],
        out_specs=[
            pl.BlockSpec((BR, DH), lambda i: (i, 0)),
            pl.BlockSpec((BR, DH), lambda i: (i, 0)),
            pl.BlockSpec((BR, 1), lambda i: (i, 0)),
        ],
        out_shape=[
            jax.ShapeDtypeStruct((NP, DH), jnp.float32),
            jax.ShapeDtypeStruct((NP, DH), jnp.float32),
            jax.ShapeDtypeStruct((NP, 1), jnp.float32),
        ],
    )(x_p, W, cvec, hists)


def _tc_mid(za, zb, hsa, hsb, dinv, dvec, W, cvec, N, BR):
    NP, DH = hsa.shape
    Din = 2 * DH
    Dout = W.shape[1]

    def body(za_ref, zb_ref, hsa_ref, hsb_ref, dinv_ref, d_ref, w_ref, c_ref,
             out_ref):
        i = pl.program_id(0)
        di = dinv_ref[...]
        xa = (za_ref[...] + hsa_ref[...]) * di + d_ref[:, :DH]
        xb = (zb_ref[...] + hsb_ref[...]) * di + d_ref[:, DH:]
        x2 = jnp.maximum(jnp.concatenate([xa, xb], axis=1), 0.0)
        rid = i * BR + lax.broadcasted_iota(jnp.int32, (BR, Din), 0)
        x2 = jnp.where(rid < N, x2, 0.0)
        h = jnp.dot(x2, w_ref[...], preferred_element_type=jnp.float32)
        out_ref[...] = h * c_ref[...] * di

    return pl.pallas_call(
        body,
        grid=(NP // BR,),
        in_specs=[
            pl.BlockSpec((BR, DH), lambda i: (i, 0)),
            pl.BlockSpec((BR, DH), lambda i: (i, 0)),
            pl.BlockSpec((BR, DH), lambda i: (i, 0)),
            pl.BlockSpec((BR, DH), lambda i: (i, 0)),
            pl.BlockSpec((BR, 1), lambda i: (i, 0)),
            pl.BlockSpec((1, Din), lambda i: (0, 0)),
            pl.BlockSpec((Din, Dout), lambda i: (0, 0)),
            pl.BlockSpec((1, Dout), lambda i: (0, 0)),
        ],
        out_specs=pl.BlockSpec((BR, Dout), lambda i: (i, 0)),
        out_shape=jax.ShapeDtypeStruct((NP, Dout), jnp.float32),
    )(za, zb, hsa, hsb, dinv, dvec, W, cvec)


def _tc_final(za, zb, hs2, dinv, dvec, N, BC):
    D = hs2.shape[1]

    def body(za_ref, zb_ref, hs_ref, dinv_ref, d_ref, out_ref):
        out_ref[...] = ((za_ref[...] + zb_ref[...] + hs_ref[...])
                        * dinv_ref[...] + d_ref[...])

    return pl.pallas_call(
        body,
        grid=(N // BC,),
        in_specs=[
            pl.BlockSpec((BC, D), lambda i: (i, 0)),
            pl.BlockSpec((BC, D), lambda i: (i, 0)),
            pl.BlockSpec((BC, D), lambda i: (i, 0)),
            pl.BlockSpec((BC, 1), lambda i: (i, 0)),
            pl.BlockSpec((1, D), lambda i: (0, 0)),
        ],
        out_specs=pl.BlockSpec((BC, D), lambda i: (i, 0)),
        out_shape=jax.ShapeDtypeStruct((N, D), jnp.float32),
    )(za, zb, hs2, dinv, dvec)


def kernel(x, edge_index, W1, b1, g1, beta1, rm1, rv1,
           W2, b2, g2, beta2, rm2, rv2):
    N, Din = x.shape
    D1 = W1.shape[1]
    D2 = W2.shape[1]
    E = edge_index.shape[1]
    NC, NSUB = _sc_geometry()
    NW = NC * NSUB

    unit = NSUB * CH
    NP = -(-(N + 1) // unit) * unit
    NB2 = -(-E // (NW * K))
    NB1 = NC * NB2
    EP = NW * NB2 * K

    src = edge_index[0].astype(jnp.int32)
    dst = edge_index[1].astype(jnp.int32)
    pad = jnp.full((EP - E,), N, jnp.int32)
    src_p = jnp.concatenate([src, pad])
    dst_p = jnp.concatenate([dst, pad])
    x_p = jnp.pad(x, ((0, NP - N), (0, 0)))

    c1 = g1 * lax.rsqrt(rv1 + EPS)
    d1 = (beta1 + (b1 - rm1) * c1)[None, :]
    c1 = c1[None, :]
    c2 = g2 * lax.rsqrt(rv2 + EPS)
    d2 = (beta2 + (b2 - rm2) * c2)[None, :]
    c2 = c2[None, :]

    zeros_np = jnp.zeros((NP,), jnp.float32)
    zrows1 = jnp.zeros((CH, D1 // NC), jnp.float32)
    zrows2 = jnp.zeros((CH, D2), jnp.float32)

    BR = NP // 10 if NP % 10 == 0 else NP // 8
    BC = N // 10 if N % 10 == 0 else N // 8

    hists = _make_degree_kernel(NC, NSUB, NP, NB2 * K)(
        dst_p.reshape(NW, NB2 * K), zeros_np)
    hsa, hsb, dinv = _tc_deg_matmul(x_p, W1, c1, hists, NW, BR)
    z1 = _make_agg_colsplit_kernel(NC, NSUB, NP, D1 // NC, NB1)(
        src_p.reshape(NSUB, NB1, K), dst_p.reshape(NSUB, NB1, K),
        hsa, hsb, zrows1)
    hs2 = _tc_mid(z1[0], z1[1], hsa, hsb, dinv, d1, W2, c2, N, BR)
    z2 = _make_agg_kernel(NC, NSUB, NP, D2, NB2)(
        src_p.reshape(NW, NB2, K), dst_p.reshape(NW, NB2, K), hs2, zrows2)
    return _tc_final(z2[0], z2[1], hs2, dinv, d2, N, BC)

# --- scband reference (transcript-rebuilt; emitter-appended) ---
"""Pipeline reference for scband-gcnencoder-81905026334999 (READ-ONLY COPY).

The authoritative reference and input builder live on the scoring server;
editing this copy changes nothing except your own understanding.
"""

import jax, jax.numpy as jnp
import numpy as np

N_NODES = 10000
IN_DIM = 128
HID_DIM = 64
N_EDGES = 320000
EPS = 1e-5


def glorot(key, shape):
    fan_in, fan_out = shape[0], shape[1]
    limit = float(np.sqrt(6.0 / (fan_in + fan_out)))
    return jax.random.uniform(key, shape, jnp.float32, -limit, limit)


def setup_inputs(seed: int = 0) -> dict:
    key = jax.random.key(seed)
    ks = jax.random.split(key, 12)
    x = jax.random.normal(ks[0], (N_NODES, IN_DIM), dtype=jnp.float32)
    edge_index = jax.random.randint(ks[1], (2, N_EDGES), 0, N_NODES, dtype=jnp.int64)
    W1 = glorot(ks[2], (IN_DIM, 2 * HID_DIM))
    b1 = jnp.zeros((2 * HID_DIM,), jnp.float32)
    g1 = jnp.ones((2 * HID_DIM,), jnp.float32)
    beta1 = jnp.zeros((2 * HID_DIM,), jnp.float32)
    rm1 = jnp.zeros((2 * HID_DIM,), jnp.float32)
    rv1 = jnp.ones((2 * HID_DIM,), jnp.float32)
    W2 = glorot(ks[3], (2 * HID_DIM, HID_DIM))
    b2 = jnp.zeros((HID_DIM,), jnp.float32)
    g2 = jnp.ones((HID_DIM,), jnp.float32)
    beta2 = jnp.zeros((HID_DIM,), jnp.float32)
    rm2 = jnp.zeros((HID_DIM,), jnp.float32)
    rv2 = jnp.ones((HID_DIM,), jnp.float32)
    return {"x": x, "edge_index": edge_index, "W1": W1, "b1": b1, "g1": g1,
            "beta1": beta1, "rm1": rm1, "rv1": rv1, "W2": W2, "b2": b2,
            "g2": g2, "beta2": beta2, "rm2": rm2, "rv2": rv2}


def gcn_conv(x, edge_index, W, b):
    n = x.shape[0]
    h = x @ W
    loop = jnp.arange(n, dtype=edge_index.dtype)
    src = jnp.concatenate([edge_index[0], loop])
    dst = jnp.concatenate([edge_index[1], loop])
    deg = jnp.zeros((n,), jnp.float32).at[dst].add(1.0)
    dinv = jnp.where(deg > 0, jax.lax.rsqrt(jnp.maximum(deg, 1e-12)), 0.0)
    norm = dinv[src] * dinv[dst]
    msgs = norm[:, None] * jnp.take(h, src, axis=0)
    out = jnp.zeros_like(h).at[dst].add(msgs)
    return out + b


def batch_norm_eval(x, gamma, beta, rm, rv):
    return (x - rm) * jax.lax.rsqrt(rv + EPS) * gamma + beta


def reference(x, edge_index, W1, b1, g1, beta1, rm1, rv1, W2, b2, g2, beta2, rm2, rv2):
    h = gcn_conv(x, edge_index, W1, b1)
    h = batch_norm_eval(h, g1, beta1, rm1, rv1)
    h = jax.nn.relu(h)
    # dropout disabled (eval mode)
    h = gcn_conv(h, edge_index, W2, b2)
    h = batch_norm_eval(h, g2, beta2, rm2, rv2)
    return h

if __name__ == "__main__":
    import jax
    _d = setup_inputs()
    print(jax.jit(kernel)(*tuple(_d.values())))

</pallas_src>

<mosaic_0001>
#map = affine_map<(d0, d1) -> (0, 0)>
#map1 = affine_map<(d0, d1) -> (0)>
module attributes {stable_mosaic.version = 14 : i64} {
  func.func @deg_kernel(%arg0: i32, %arg1: i32, %arg2: memref<32x10112xi32, #tpu.memory_space<hbm>>, %arg3: memref<10240xf32, #tpu.memory_space<hbm>>, %arg4: memref<32x10240xf32, #tpu.memory_space<hbm>>, %arg5: memref<10112xi32, #tpu.memory_space<vmem>>, %arg6: memref<10240xf32, #tpu.memory_space<vmem>>) attributes {dimension_semantics = [#tpu.dimension_semantics<core_parallel>, #tpu.dimension_semantics<subcore_parallel>], iteration_bounds = array<i64: 2, 16>, scalar_prefetch = 0 : i64, scratch_operands = 2 : i64, tpu.core_type = #tpu.core_type<sc_vector_subcore>, window_params = [{transform_indices = #map}, {transform_indices = #map1}, {transform_indices = #map}]} {
    %mul3A = arith.constant 16 : i32
    %mul3A_0 = arith.muli %arg0, %mul3A : i32
    %add3A = arith.addi %mul3A_0, %arg1 : i32
    "tpu.region"() ({
      %run_scoped3A = tpu.sem_alloc : memref<!tpu.dma_semaphore, #tpu.memory_space<semaphore_mem>>
      %dma_start3A = arith.constant 0 : i32
      %dma_start3A_7 = tpu.memref_slice %arg2[%add3A, %dma_start3A] : memref<32x10112xi32, #tpu.memory_space<hbm>> -> memref<1x10112xi32, #tpu.memory_space<hbm>>
      %dma_start3A_8 = tpu.memref_squeeze %dma_start3A_7 : memref<1x10112xi32, #tpu.memory_space<hbm>> -> memref<10112xi32, #tpu.memory_space<hbm>>
      %dma_start3A_9 = arith.constant 0 : i32
      %dma_start3A_10 = tpu.memref_slice %arg2[%add3A, %dma_start3A_9] : memref<32x10112xi32, #tpu.memory_space<hbm>> -> memref<1x10112xi32, #tpu.memory_space<hbm>>
      %dma_start3A_11 = tpu.memref_squeeze %dma_start3A_10 : memref<1x10112xi32, #tpu.memory_space<hbm>> -> memref<10112xi32, #tpu.memory_space<hbm>>
      tpu.enqueue_dma source(%dma_start3A_11 : memref<10112xi32, #tpu.memory_space<hbm>>) target(%arg5 : memref<10112xi32, #tpu.memory_space<vmem>>) target_semaphore(%run_scoped3A : memref<!tpu.dma_semaphore, #tpu.memory_space<semaphore_mem>>)
      %dma_wait3A = arith.constant 0 : i32
      %dma_wait3A_12 = tpu.memref_slice %arg2[%add3A, %dma_wait3A] : memref<32x10112xi32, #tpu.memory_space<hbm>> -> memref<1x10112xi32, #tpu.memory_space<hbm>>
      %dma_wait3A_13 = tpu.memref_squeeze %dma_wait3A_12 : memref<1x10112xi32, #tpu.memory_space<hbm>> -> memref<10112xi32, #tpu.memory_space<hbm>>
      %dma_wait3A_14 = arith.constant 0 : i32
      %dma_wait3A_15 = tpu.memref_slice %arg2[%add3A, %dma_wait3A_14] : memref<32x10112xi32, #tpu.memory_space<hbm>> -> memref<1x10112xi32, #tpu.memory_space<hbm>>
      %dma_wait3A_16 = tpu.memref_squeeze %dma_wait3A_15 : memref<1x10112xi32, #tpu.memory_space<hbm>> -> memref<10112xi32, #tpu.memory_space<hbm>>
      tpu.wait_dma2 semaphore(%run_scoped3A : memref<!tpu.dma_semaphore, #tpu.memory_space<semaphore_mem>>) src(%dma_wait3A_16 : memref<10112xi32, #tpu.memory_space<hbm>>) dst(%arg5 : memref<10112xi32, #tpu.memory_space<vmem>>)
      tpu.yield
    }) : () -> ()
    "tpu.region"() ({
      %run_scoped3A = tpu.sem_alloc : memref<!tpu.dma_semaphore, #tpu.memory_space<semaphore_mem>>
      tpu.enqueue_dma source(%arg3 : memref<10240xf32, #tpu.memory_space<hbm>>) target(%arg6 : memref<10240xf32, #tpu.memory_space<vmem>>) target_semaphore(%run_scoped3A : memref<!tpu.dma_semaphore, #tpu.memory_space<semaphore_mem>>)
      tpu.wait_dma2 semaphore(%run_scoped3A : memref<!tpu.dma_semaphore, #tpu.memory_space<semaphore_mem>>) src(%arg3 : memref<10240xf32, #tpu.memory_space<hbm>>) dst(%arg6 : memref<10240xf32, #tpu.memory_space<vmem>>)
      tpu.yield
    }) : () -> ()
    %broadcast_in_dim3A = arith.constant 1.000000e+00 : f32
    %broadcast_in_dim3A_1 = vector.broadcast %broadcast_in_dim3A : f32 to vector<16xf32>
    %scan3A = arith.constant 0 : i32
    %scan3A_2 = arith.constant 0 : i32
    %scan3A_3 = arith.constant 632 : i32
    %scan3A_4 = arith.addi %scan3A_2, %scan3A_3 : i32
    %scan3A_5 = arith.constant 1 : i32
    scf.for %scan3A_7 = %scan3A_2 to %scan3A_4 step %scan3A_5  : i32 {
      %mul3A_8 = arith.constant 16 : i32
      %mul3A_9 = arith.muli %scan3A_7, %mul3A_8 : i32
      %get3A = arith.index_cast %mul3A_9 : i32 to index
      %get3A_10 = tpu.vector_load %arg5[%get3A] {strides = array<i32>} : memref<10112xi32, #tpu.memory_space<vmem>>, vector<16xi32>,
      tpu.vector_store_idx %arg6[%get3A_10], %broadcast_in_dim3A_1 {add = true} : memref<10240xf32, #tpu.memory_space<vmem>>[vector<16xi32>], vector<16xf32>,
    }
    %scan3A_6 = arith.constant 632 : i32
    "tpu.region"() ({
      %run_scoped3A = tpu.sem_alloc : memref<!tpu.dma_semaphore, #tpu.memory_space<semaphore_mem>>
      %dma_start3A = arith.constant 0 : i32
      %dma_start3A_7 = tpu.memref_slice %arg4[%add3A, %dma_start3A] : memref<32x10240xf32, #tpu.memory_space<hbm>> -> memref<1x10240xf32, #tpu.memory_space<hbm>>
      %dma_start3A_8 = tpu.memref_squeeze %dma_start3A_7 : memref<1x10240xf32, #tpu.memory_space<hbm>> -> memref<10240xf32, #tpu.memory_space<hbm>>
      %dma_start3A_9 = arith.constant 0 : i32
      %dma_start3A_10 = tpu.memref_slice %arg4[%add3A, %dma_start3A_9] : memref<32x10240xf32, #tpu.memory_space<hbm>> -> memref<1x10240xf32, #tpu.memory_space<hbm>>
      %dma_start3A_11 = tpu.memref_squeeze %dma_start3A_10 : memref<1x10240xf32, #tpu.memory_space<hbm>> -> memref<10240xf32, #tpu.memory_space<hbm>>
      tpu.enqueue_dma source(%arg6 : memref<10240xf32, #tpu.memory_space<vmem>>) target(%dma_start3A_11 : memref<10240xf32, #tpu.memory_space<hbm>>) target_semaphore(%run_scoped3A : memref<!tpu.dma_semaphore, #tpu.memory_space<semaphore_mem>>)
      %dma_wait3A = arith.constant 0 : i32
      %dma_wait3A_12 = tpu.memref_slice %arg4[%add3A, %dma_wait3A] : memref<32x10240xf32, #tpu.memory_space<hbm>> -> memref<1x10240xf32, #tpu.memory_space<hbm>>
      %dma_wait3A_13 = tpu.memref_squeeze %dma_wait3A_12 : memref<1x10240xf32, #tpu.memory_space<hbm>> -> memref<10240xf32, #tpu.memory_space<hbm>>
      %dma_wait3A_14 = arith.constant 0 : i32
      %dma_wait3A_15 = tpu.memref_slice %arg4[%add3A, %dma_wait3A_14] : memref<32x10240xf32, #tpu.memory_space<hbm>> -> memref<1x10240xf32, #tpu.memory_space<hbm>>
      %dma_wait3A_16 = tpu.memref_squeeze %dma_wait3A_15 : memref<1x10240xf32, #tpu.memory_space<hbm>> -> memref<10240xf32, #tpu.memory_space<hbm>>
      tpu.wait_dma2 semaphore(%run_scoped3A : memref<!tpu.dma_semaphore, #tpu.memory_space<semaphore_mem>>) src(%arg6 : memref<10240xf32, #tpu.memory_space<vmem>>) dst(%dma_wait3A_16 : memref<10240xf32, #tpu.memory_space<hbm>>)
      tpu.yield
    }) : () -> ()
    return
  }
}

#map = affine_map<(d0, d1) -> (0, 0, 0)>
#map1 = affine_map<(d0, d1) -> (0, 0)>
module attributes {stable_mosaic.version = 14 : i64} {
  func.func @agg_kernel(%arg0: i32, %arg1: i32, %arg2: memref<32x79x128xi32, #tpu.memory_space<hbm>>, %arg3: memref<32x79x128xi32, #tpu.memory_space<hbm>>, %arg4: memref<10240x64xf32, #tpu.memory_space<hbm>>, %arg5: memref<128x64xf32, #tpu.memory_space<hbm>>, %arg6: memref<2x10240x64xf32, #tpu.memory_space<hbm>>, %arg7: memref<79x128xi32, #tpu.memory_space<vmem>>, %arg8: memref<79x128xi32, #tpu.memory_space<vmem>>, %arg9: memref<128x64xf32, #tpu.memory_space<vmem>>, %arg10: memref<128x64xf32, #tpu.memory_space<vmem>>, %arg11: memref<10240x64xf32, #tpu.memory_space<vmem_shared>>, %arg12: memref<!tpu.dma_semaphore, #tpu.memory_space<semaphore_mem>>) attributes {dimension_semantics = [#tpu.dimension_semantics<core_parallel>, #tpu.dimension_semantics<subcore_parallel>], iteration_bounds = array<i64: 2, 16>, scalar_prefetch = 0 : i64, scratch_operands = 6 : i64, tpu.core_type = #tpu.core_type<sc_vector_subcore>, window_params = [{transform_indices = #map}, {transform_indices = #map}, {transform_indices = #map1}, {transform_indices = #map1}, {transform_indices = #map}]} {
    %mul3A = arith.constant 16 : i32
    %mul3A_0 = arith.muli %arg0, %mul3A : i32
    %add3A = arith.addi %mul3A_0, %arg1 : i32
    "tpu.region"() ({
      %run_scoped3A = tpu.sem_alloc : memref<!tpu.dma_semaphore, #tpu.memory_space<semaphore_mem>>
      %dma_start3A = arith.constant 0 : i32
      %dma_start3A_67 = arith.constant 0 : i32
      %dma_start3A_68 = tpu.memref_slice %arg2[%add3A, %dma_start3A, %dma_start3A_67] : memref<32x79x128xi32, #tpu.memory_space<hbm>> -> memref<1x79x128xi32, #tpu.memory_space<hbm>>
      %dma_start3A_69 = tpu.memref_squeeze %dma_start3A_68 : memref<1x79x128xi32, #tpu.memory_space<hbm>> -> memref<79x128xi32, #tpu.memory_space<hbm>>
      %dma_start3A_70 = arith.constant 0 : i32
      %dma_start3A_71 = arith.constant 0 : i32
      %dma_start3A_72 = tpu.memref_slice %arg2[%add3A, %dma_start3A_70, %dma_start3A_71] : memref<32x79x128xi32, #tpu.memory_space<hbm>> -> memref<1x79x128xi32, #tpu.memory_space<hbm>>
      %dma_start3A_73 = tpu.memref_squeeze %dma_start3A_72 : memref<1x79x128xi32, #tpu.memory_space<hbm>> -> memref<79x128xi32, #tpu.memory_space<hbm>>
      tpu.enqueue_dma source(%dma_start3A_73 : memref<79x128xi32, #tpu.memory_space<hbm>>) target(%arg7 : memref<79x128xi32, #tpu.memory_space<vmem>>) target_semaphore(%run_scoped3A : memref<!tpu.dma_semaphore, #tpu.memory_space<semaphore_mem>>)
      %dma_wait3A = arith.constant 0 : i32
      %dma_wait3A_74 = arith.constant 0 : i32
      %dma_wait3A_75 = tpu.memref_slice %arg2[%add3A, %dma_wait3A, %dma_wait3A_74] : memref<32x79x128xi32, #tpu.memory_space<hbm>> -> memref<1x79x128xi32, #tpu.memory_space<hbm>>
      %dma_wait3A_76 = tpu.memref_squeeze %dma_wait3A_75 : memref<1x79x128xi32, #tpu.memory_space<hbm>> -> memref<79x128xi32, #tpu.memory_space<hbm>>
      %dma_wait3A_77 = arith.constant 0 : i32
      %dma_wait3A_78 = arith.constant 0 : i32
      %dma_wait3A_79 = tpu.memref_slice %arg2[%add3A, %dma_wait3A_77, %dma_wait3A_78] : memref<32x79x128xi32, #tpu.memory_space<hbm>> -> memref<1x79x128xi32, #tpu.memory_space<hbm>>
      %dma_wait3A_80 = tpu.memref_squeeze %dma_wait3A_79 : memref<1x79x128xi32, #tpu.memory_space<hbm>> -> memref<79x128xi32, #tpu.memory_space<hbm>>
      tpu.wait_dma2 semaphore(%run_scoped3A : memref<!tpu.dma_semaphore, #tpu.memory_space<semaphore_mem>>) src(%dma_wait3A_80 : memref<79x128xi32, #tpu.memory_space<hbm>>) dst(%arg7 : memref<79x128xi32, #tpu.memory_space<vmem>>)
      tpu.yield
    }) : () -> ()
    "tpu.region"() ({
      %run_scoped3A = tpu.sem_alloc : memref<!tpu.dma_semaphore, #tpu.memory_space<semaphore_mem>>
      %dma_start3A = arith.constant 0 : i32
      %dma_start3A_67 = arith.constant 0 : i32
      %dma_start3A_68 = tpu.memref_slice %arg3[%add3A, %dma_start3A, %dma_start3A_67] : memref<32x79x128xi32, #tpu.memory_space<hbm>> -> memref<1x79x128xi32, #tpu.memory_space<hbm>>
      %dma_start3A_69 = tpu.memref_squeeze %dma_start3A_68 : memref<1x79x128xi32, #tpu.memory_space<hbm>> -> memref<79x128xi32, #tpu.memory_space<hbm>>
      %dma_start3A_70 = arith.constant 0 : i32
      %dma_start3A_71 = arith.constant 0 : i32
      %dma_start3A_72 = tpu.memref_slice %arg3[%add3A, %dma_start3A_70, %dma_start3A_71] : memref<32x79x128xi32, #tpu.memory_space<hbm>> -> memref<1x79x128xi32, #tpu.memory_space<hbm>>
      %dma_start3A_73 = tpu.memref_squeeze %dma_start3A_72 : memref<1x79x128xi32, #tpu.memory_space<hbm>> -> memref<79x128xi32, #tpu.memory_space<hbm>>
      tpu.enqueue_dma source(%dma_start3A_73 : memref<79x128xi32, #tpu.memory_space<hbm>>) target(%arg8 : memref<79x128xi32, #tpu.memory_space<vmem>>) target_semaphore(%run_scoped3A : memref<!tpu.dma_semaphore, #tpu.memory_space<semaphore_mem>>)
      %dma_wait3A = arith.constant 0 : i32
      %dma_wait3A_74 = arith.constant 0 : i32
      %dma_wait3A_75 = tpu.memref_slice %arg3[%add3A, %dma_wait3A, %dma_wait3A_74] : memref<32x79x128xi32, #tpu.memory_space<hbm>> -> memref<1x79x128xi32, #tpu.memory_space<hbm>>
      %dma_wait3A_76 = tpu.memref_squeeze %dma_wait3A_75 : memref<1x79x128xi32, #tpu.memory_space<hbm>> -> memref<79x128xi32, #tpu.memory_space<hbm>>
      %dma_wait3A_77 = arith.constant 0 : i32
      %dma_wait3A_78 = arith.constant 0 : i32
      %dma_wait3A_79 = tpu.memref_slice %arg3[%add3A, %dma_wait3A_77, %dma_wait3A_78] : memref<32x79x128xi32, #tpu.memory_space<hbm>> -> memref<1x79x128xi32, #tpu.memory_space<hbm>>
      %dma_wait3A_80 = tpu.memref_squeeze %dma_wait3A_79 : memref<1x79x128xi32, #tpu.memory_space<hbm>> -> memref<79x128xi32, #tpu.memory_space<hbm>>
      tpu.wait_dma2 semaphore(%run_scoped3A : memref<!tpu.dma_semaphore, #tpu.memory_space<semaphore_mem>>) src(%dma_wait3A_80 : memref<79x128xi32, #tpu.memory_space<hbm>>) dst(%arg8 : memref<79x128xi32, #tpu.memory_space<vmem>>)
      tpu.yield
    }) : () -> ()
    "tpu.region"() ({
      %run_scoped3A = tpu.sem_alloc : memref<!tpu.dma_semaphore, #tpu.memory_space<semaphore_mem>>
      tpu.enqueue_dma source(%arg5 : memref<128x64xf32, #tpu.memory_space<hbm>>) target(%arg10 : memref<128x64xf32, #tpu.memory_space<vmem>>) target_semaphore(%run_scoped3A : memref<!tpu.dma_semaphore, #tpu.memory_space<semaphore_mem>>)
      tpu.wait_dma2 semaphore(%run_scoped3A : memref<!tpu.dma_semaphore, #tpu.memory_space<semaphore_mem>>) src(%arg5 : memref<128x64xf32, #tpu.memory_space<hbm>>) dst(%arg10 : memref<128x64xf32, #tpu.memory_space<vmem>>)
      tpu.yield
    }) : () -> ()
    %mul3A_1 = arith.constant 640 : i32
    %mul3A_2 = arith.muli %arg1, %mul3A_1 : i32
    %add3A_3 = arith.constant 0 : i32
    %add3A_4 = arith.addi %mul3A_2, %add3A_3 : i32
    "tpu.region"() ({
      %run_scoped3A = tpu.sem_alloc : memref<!tpu.dma_semaphore, #tpu.memory_space<semaphore_mem>>
      %dma_start3A = arith.constant 0 : i32
      %dma_start3A_67 = tpu.memref_slice %arg11[%add3A_4, %dma_start3A] : memref<10240x64xf32, #tpu.memory_space<vmem_shared>> -> memref<128x64xf32, #tpu.memory_space<vmem_shared>>
      %dma_start3A_68 = arith.constant 0 : i32
      %dma_start3A_69 = tpu.memref_slice %arg11[%add3A_4, %dma_start3A_68] : memref<10240x64xf32, #tpu.memory_space<vmem_shared>> -> memref<128x64xf32, #tpu.memory_space<vmem_shared>>
      tpu.enqueue_dma source(%arg10 : memref<128x64xf32, #tpu.memory_space<vmem>>) target(%dma_start3A_69 : memref<128x64xf32, #tpu.memory_space<vmem_shared>>) target_semaphore(%run_scoped3A : memref<!tpu.dma_semaphore, #tpu.memory_space<semaphore_mem>>)
      %dma_wait3A = arith.constant 0 : i32
      %dma_wait3A_70 = tpu.memref_slice %arg11[%add3A_4, %dma_wait3A] : memref<10240x64xf32, #tpu.memory_space<vmem_shared>> -> memref<128x64xf32, #tpu.memory_space<vmem_shared>>
      %dma_wait3A_71 = arith.constant 0 : i32
      %dma_wait3A_72 = tpu.memref_slice %arg11[%add3A_4, %dma_wait3A_71] : memref<10240x64xf32, #tpu.memory_space<vmem_shared>> -> memref<128x64xf32, #tpu.memory_space<vmem_shared>>
      tpu.wait_dma2 semaphore(%run_scoped3A : memref<!tpu.dma_semaphore, #tpu.memory_space<semaphore_mem>>) src(%arg10 : memref<128x64xf32, #tpu.memory_space<vmem>>) dst(%dma_wait3A_72 : memref<128x64xf32, #tpu.memory_space<vmem_shared>>)
      tpu.yield
    }) : () -> ()
    %mul3A_5 = arith.constant 640 : i32
    %mul3A_6 = arith.muli %arg1, %mul3A_5 : i32
    %add3A_7 = arith.constant 128 : i32
    %add3A_8 = arith.addi %mul3A_6, %add3A_7 : i32
    "tpu.region"() ({
      %run_scoped3A = tpu.sem_alloc : memref<!tpu.dma_semaphore, #tpu.memory_space<semaphore_mem>>
      %dma_start3A = arith.constant 0 : i32
      %dma_start3A_67 = tpu.memref_slice %arg11[%add3A_8, %dma_start3A] : memref<10240x64xf32, #tpu.memory_space<vmem_shared>> -> memref<128x64xf32, #tpu.memory_space<vmem_shared>>
      %dma_start3A_68 = arith.constant 0 : i32
      %dma_start3A_69 = tpu.memref_slice %arg11[%add3A_8, %dma_start3A_68] : memref<10240x64xf32, #tpu.memory_space<vmem_shared>> -> memref<128x64xf32, #tpu.memory_space<vmem_shared>>
      tpu.enqueue_dma source(%arg10 : memref<128x64xf32, #tpu.memory_space<vmem>>) target(%dma_start3A_69 : memref<128x64xf32, #tpu.memory_space<vmem_shared>>) target_semaphore(%run_scoped3A : memref<!tpu.dma_semaphore, #tpu.memory_space<semaphore_mem>>)
      %dma_wait3A = arith.constant 0 : i32
      %dma_wait3A_70 = tpu.memref_slice %arg11[%add3A_8, %dma_wait3A] : memref<10240x64xf32, #tpu.memory_space<vmem_shared>> -> memref<128x64xf32, #tpu.memory_space<vmem_shared>>
      %dma_wait3A_71 = arith.constant 0 : i32
      %dma_wait3A_72 = tpu.memref_slice %arg11[%add3A_8, %dma_wait3A_71] : memref<10240x64xf32, #tpu.memory_space<vmem_shared>> -> memref<128x64xf32, #tpu.memory_space<vmem_shared>>
      tpu.wait_dma2 semaphore(%run_scoped3A : memref<!tpu.dma_semaphore, #tpu.memory_space<semaphore_mem>>) src(%arg10 : memref<128x64xf32, #tpu.memory_space<vmem>>) dst(%dma_wait3A_72 : memref<128x64xf32, #tpu.memory_space<vmem_shared>>)
      tpu.yield
    }) : () -> ()
    %mul3A_9 = arith.constant 640 : i32
    %mul3A_10 = arith.muli %arg1, %mul3A_9 : i32
    %add3A_11 = arith.constant 256 : i32
    %add3A_12 = arith.addi %mul3A_10, %add3A_11 : i32
    "tpu.region"() ({
      %run_scoped3A = tpu.sem_alloc : memref<!tpu.dma_semaphore, #tpu.memory_space<semaphore_mem>>
      %dma_start3A = arith.constant 0 : i32
      %dma_start3A_67 = tpu.memref_slice %arg11[%add3A_12, %dma_start3A] : memref<10240x64xf32, #tpu.memory_space<vmem_shared>> -> memref<128x64xf32, #tpu.memory_space<vmem_shared>>
      %dma_start3A_68 = arith.constant 0 : i32
      %dma_start3A_69 = tpu.memref_slice %arg11[%add3A_12, %dma_start3A_68] : memref<10240x64xf32, #tpu.memory_space<vmem_shared>> -> memref<128x64xf32, #tpu.memory_space<vmem_shared>>
      tpu.enqueue_dma source(%arg10 : memref<128x64xf32, #tpu.memory_space<vmem>>) target(%dma_start3A_69 : memref<128x64xf32, #tpu.memory_space<vmem_shared>>) target_semaphore(%run_scoped3A : memref<!tpu.dma_semaphore, #tpu.memory_space<semaphore_mem>>)
      %dma_wait3A = arith.constant 0 : i32
      %dma_wait3A_70 = tpu.memref_slice %arg11[%add3A_12, %dma_wait3A] : memref<10240x64xf32, #tpu.memory_space<vmem_shared>> -> memref<128x64xf32, #tpu.memory_space<vmem_shared>>
      %dma_wait3A_71 = arith.constant 0 : i32
      %dma_wait3A_72 = tpu.memref_slice %arg11[%add3A_12, %dma_wait3A_71] : memref<10240x64xf32, #tpu.memory_space<vmem_shared>> -> memref<128x64xf32, #tpu.memory_space<vmem_shared>>
      tpu.wait_dma2 semaphore(%run_scoped3A : memref<!tpu.dma_semaphore, #tpu.memory_space<semaphore_mem>>) src(%arg10 : memref<128x64xf32, #tpu.memory_space<vmem>>) dst(%dma_wait3A_72 : memref<128x64xf32, #tpu.memory_space<vmem_shared>>)
      tpu.yield
    }) : () -> ()
    %mul3A_13 = arith.constant 640 : i32
    %mul3A_14 = arith.muli %arg1, %mul3A_13 : i32
    %add3A_15 = arith.constant 384 : i32
    %add3A_16 = arith.addi %mul3A_14, %add3A_15 : i32
    "tpu.region"() ({
      %run_scoped3A = tpu.sem_alloc : memref<!tpu.dma_semaphore, #tpu.memory_space<semaphore_mem>>
      %dma_start3A = arith.constant 0 : i32
      %dma_start3A_67 = tpu.memref_slice %arg11[%add3A_16, %dma_start3A] : memref<10240x64xf32, #tpu.memory_space<vmem_shared>> -> memref<128x64xf32, #tpu.memory_space<vmem_shared>>
      %dma_start3A_68 = arith.constant 0 : i32
      %dma_start3A_69 = tpu.memref_slice %arg11[%add3A_16, %dma_start3A_68] : memref<10240x64xf32, #tpu.memory_space<vmem_shared>> -> memref<128x64xf32, #tpu.memory_space<vmem_shared>>
      tpu.enqueue_dma source(%arg10 : memref<128x64xf32, #tpu.memory_space<vmem>>) target(%dma_start3A_69 : memref<128x64xf32, #tpu.memory_space<vmem_shared>>) target_semaphore(%run_scoped3A : memref<!tpu.dma_semaphore, #tpu.memory_space<semaphore_mem>>)
      %dma_wait3A = arith.constant 0 : i32
      %dma_wait3A_70 = tpu.memref_slice %arg11[%add3A_16, %dma_wait3A] : memref<10240x64xf32, #tpu.memory_space<vmem_shared>> -> memref<128x64xf32, #tpu.memory_space<vmem_shared>>
      %dma_wait3A_71 = arith.constant 0 : i32
      %dma_wait3A_72 = tpu.memref_slice %arg11[%add3A_16, %dma_wait3A_71] : memref<10240x64xf32, #tpu.memory_space<vmem_shared>> -> memref<128x64xf32, #tpu.memory_space<vmem_shared>>
      tpu.wait_dma2 semaphore(%run_scoped3A : memref<!tpu.dma_semaphore, #tpu.memory_space<semaphore_mem>>) src(%arg10 : memref<128x64xf32, #tpu.memory_space<vmem>>) dst(%dma_wait3A_72 : memref<128x64xf32, #tpu.memory_space<vmem_shared>>)
      tpu.yield
    }) : () -> ()
    %mul3A_17 = arith.constant 640 : i32
    %mul3A_18 = arith.muli %arg1, %mul3A_17 : i32
    %add3A_19 = arith.constant 512 : i32
    %add3A_20 = arith.addi %mul3A_18, %add3A_19 : i32
    "tpu.region"() ({
      %run_scoped3A = tpu.sem_alloc : memref<!tpu.dma_semaphore, #tpu.memory_space<semaphore_mem>>
      %dma_start3A = arith.constant 0 : i32
      %dma_start3A_67 = tpu.memref_slice %arg11[%add3A_20, %dma_start3A] : memref<10240x64xf32, #tpu.memory_space<vmem_shared>> -> memref<128x64xf32, #tpu.memory_space<vmem_shared>>
      %dma_start3A_68 = arith.constant 0 : i32
      %dma_start3A_69 = tpu.memref_slice %arg11[%add3A_20, %dma_start3A_68] : memref<10240x64xf32, #tpu.memory_space<vmem_shared>> -> memref<128x64xf32, #tpu.memory_space<vmem_shared>>
      tpu.enqueue_dma source(%arg10 : memref<128x64xf32, #tpu.memory_space<vmem>>) target(%dma_start3A_69 : memref<128x64xf32, #tpu.memory_space<vmem_shared>>) target_semaphore(%run_scoped3A : memref<!tpu.dma_semaphore, #tpu.memory_space<semaphore_mem>>)
      %dma_wait3A = arith.constant 0 : i32
      %dma_wait3A_70 = tpu.memref_slice %arg11[%add3A_20, %dma_wait3A] : memref<10240x64xf32, #tpu.memory_space<vmem_shared>> -> memref<128x64xf32, #tpu.memory_space<vmem_shared>>
      %dma_wait3A_71 = arith.constant 0 : i32
      %dma_wait3A_72 = tpu.memref_slice %arg11[%add3A_20, %dma_wait3A_71] : memref<10240x64xf32, #tpu.memory_space<vmem_shared>> -> memref<128x64xf32, #tpu.memory_space<vmem_shared>>
      tpu.wait_dma2 semaphore(%run_scoped3A : memref<!tpu.dma_semaphore, #tpu.memory_space<semaphore_mem>>) src(%arg10 : memref<128x64xf32, #tpu.memory_space<vmem>>) dst(%dma_wait3A_72 : memref<128x64xf32, #tpu.memory_space<vmem_shared>>)
      tpu.yield
    }) : () -> ()
    %barrier3A = arith.constant 0 : index
    tpu.barrier barrier_id(%barrier3A)
    %scan3A = arith.constant 0 : i32
    %scan3A_21 = arith.constant 0 : i32
    %scan3A_22 = arith.constant 79 : i32
    %scan3A_23 = arith.addi %scan3A_21, %scan3A_22 : i32
    %scan3A_24 = arith.constant 1 : i32
    scf.for %scan3A_67 = %scan3A_21 to %scan3A_23 step %scan3A_24  : i32 {
      %dma_start3A = arith.constant 0 : i32
      %dma_start3A_68 = tpu.memref_slice %arg7[%scan3A_67, %dma_start3A] : memref<79x128xi32, #tpu.memory_space<vmem>> -> memref<1x128xi32, #tpu.memory_space<vmem>>
      %dma_start3A_69 = tpu.memref_squeeze %dma_start3A_68 : memref<1x128xi32, #tpu.memory_space<vmem>> -> memref<128xi32, #tpu.memory_space<vmem>>
      %dma_start3A_70 = arith.constant 0 : i32
      %dma_start3A_71 = arith.constant 0 : i32
      %dma_start3A_72 = tpu.memref_slice %arg4[%dma_start3A_70, %dma_start3A_71] : memref<10240x64xf32, #tpu.memory_space<hbm>> -> memref<10240x64xf32, #tpu.memory_space<hbm>>
      tpu.enqueue_indirect_dma source(%dma_start3A_72 : memref<10240x64xf32, #tpu.memory_space<hbm>>) target(%arg9 : memref<128x64xf32, #tpu.memory_space<vmem>>) offsets(%dma_start3A_69 : memref<128xi32, #tpu.memory_space<vmem>>) semaphore(%arg12 : memref<!tpu.dma_semaphore, #tpu.memory_space<semaphore_mem>>)
      %dma_wait3A = arith.constant 0 : i32
      %dma_wait3A_73 = tpu.memref_slice %arg7[%scan3A_67, %dma_wait3A] : memref<79x128xi32, #tpu.memory_space<vmem>> -> memref<1x128xi32, #tpu.memory_space<vmem>>
      %dma_wait3A_74 = tpu.memref_squeeze %dma_wait3A_73 : memref<1x128xi32, #tpu.memory_space<vmem>> -> memref<128xi32, #tpu.memory_space<vmem>>
      %dma_wait3A_75 = arith.constant 0 : i32
      %dma_wait3A_76 = arith.constant 0 : i32
      %dma_wait3A_77 = tpu.memref_slice %arg4[%dma_wait3A_75, %dma_wait3A_76] : memref<10240x64xf32, #tpu.memory_space<hbm>> -> memref<10240x64xf32, #tpu.memory_space<hbm>>
      tpu.wait_indirect_dma semaphore(%arg12 : memref<!tpu.dma_semaphore, #tpu.memory_space<semaphore_mem>>) src(%dma_wait3A_77 : memref<10240x64xf32, #tpu.memory_space<hbm>>) dst(%arg9 : memref<128x64xf32, #tpu.memory_space<vmem>>)
      "tpu.region"() ({
        %run_scoped3A = tpu.sem_alloc : memref<!tpu.dma_semaphore, #tpu.memory_space<semaphore_mem>>
        %dma_start3A_78 = arith.constant 0 : i32
        %dma_start3A_79 = tpu.memref_slice %arg8[%scan3A_67, %dma_start3A_78] : memref<79x128xi32, #tpu.memory_space<vmem>> -> memref<1x128xi32, #tpu.memory_space<vmem>>
        %dma_start3A_80 = tpu.memref_squeeze %dma_start3A_79 : memref<1x128xi32, #tpu.memory_space<vmem>> -> memref<128xi32, #tpu.memory_space<vmem>>
        %dma_start3A_81 = arith.constant 0 : i32
        %dma_start3A_82 = arith.constant 0 : i32
        %dma_start3A_83 = tpu.memref_slice %arg11[%dma_start3A_81, %dma_start3A_82] : memref<10240x64xf32, #tpu.memory_space<vmem_shared>> -> memref<10240x64xf32, #tpu.memory_space<vmem_shared>>
        tpu.enqueue_indirect_dma source(%arg9 : memref<128x64xf32, #tpu.memory_space<vmem>>) target(%dma_start3A_83 : memref<10240x64xf32, #tpu.memory_space<vmem_shared>>) offsets(%dma_start3A_80 : memref<128xi32, #tpu.memory_space<vmem>>) semaphore(%run_scoped3A : memref<!tpu.dma_semaphore, #tpu.memory_space<semaphore_mem>>) {add = true}
        %dma_wait3A_84 = arith.constant 0 : i32
        %dma_wait3A_85 = tpu.memref_slice %arg8[%scan3A_67, %dma_wait3A_84] : memref<79x128xi32, #tpu.memory_space<vmem>> -> memref<1x128xi32, #tpu.memory_space<vmem>>
        %dma_wait3A_86 = tpu.memref_squeeze %dma_wait3A_85 : memref<1x128xi32, #tpu.memory_space<vmem>> -> memref<128xi32, #tpu.memory_space<vmem>>
        %dma_wait3A_87 = arith.constant 0 : i32
        %dma_wait3A_88 = arith.constant 0 : i32
        %dma_wait3A_89 = tpu.memref_slice %arg11[%dma_wait3A_87, %dma_wait3A_88] : memref<10240x64xf32, #tpu.memory_space<vmem_shared>> -> memref<10240x64xf32, #tpu.memory_space<vmem_shared>>
        tpu.wait_indirect_dma semaphore(%run_scoped3A : memref<!tpu.dma_semaphore, #tpu.memory_space<semaphore_mem>>) src(%arg9 : memref<128x64xf32, #tpu.memory_space<vmem>>) dst(%dma_wait3A_89 : memref<10240x64xf32, #tpu.memory_space<vmem_shared>>)
        tpu.yield
      }) : () -> ()
    }
    %scan3A_25 = arith.constant 79 : i32
    %barrier3A_26 = arith.constant 0 : index
    tpu.barrier barrier_id(%barrier3A_26)
    %mul3A_27 = arith.constant 640 : i32
    %mul3A_28 = arith.muli %arg1, %mul3A_27 : i32
    %add3A_29 = arith.constant 0 : i32
    %add3A_30 = arith.addi %mul3A_28, %add3A_29 : i32
    "tpu.region"() ({
      %run_scoped3A = tpu.sem_alloc : memref<!tpu.dma_semaphore, #tpu.memory_space<semaphore_mem>>
      %dma_start3A = arith.constant 0 : i32
      %dma_start3A_67 = tpu.memref_slice %arg11[%add3A_30, %dma_start3A] : memref<10240x64xf32, #tpu.memory_space<vmem_shared>> -> memref<128x64xf32, #tpu.memory_space<vmem_shared>>
      %dma_start3A_68 = arith.constant 0 : i32
      %dma_start3A_69 = tpu.memref_slice %arg11[%add3A_30, %dma_start3A_68] : memref<10240x64xf32, #tpu.memory_space<vmem_shared>> -> memref<128x64xf32, #tpu.memory_space<vmem_shared>>
      tpu.enqueue_dma source(%dma_start3A_69 : memref<128x64xf32, #tpu.memory_space<vmem_shared>>) target(%arg10 : memref<128x64xf32, #tpu.memory_space<vmem>>) target_semaphore(%run_scoped3A : memref<!tpu.dma_semaphore, #tpu.memory_space<semaphore_mem>>)
      %dma_wait3A = arith.constant 0 : i32
      %dma_wait3A_70 = tpu.memref_slice %arg11[%add3A_30, %dma_wait3A] : memref<10240x64xf32, #tpu.memory_space<vmem_shared>> -> memref<128x64xf32, #tpu.memory_space<vmem_shared>>
      %dma_wait3A_71 = arith.constant 0 : i32
      %dma_wait3A_72 = tpu.memref_slice %arg11[%add3A_30, %dma_wait3A_71] : memref<10240x64xf32, #tpu.memory_space<vmem_shared>> -> memref<128x64xf32, #tpu.memory_space<vmem_shared>>
      tpu.wait_dma2 semaphore(%run_scoped3A : memref<!tpu.dma_semaphore, #tpu.memory_space<semaphore_mem>>) src(%dma_wait3A_72 : memref<128x64xf32, #tpu.memory_space<vmem_shared>>) dst(%arg10 : memref<128x64xf32, #tpu.memory_space<vmem>>)
      tpu.yield
    }) : () -> ()
    %mul3A_31 = arith.constant 640 : i32
    %mul3A_32 = arith.muli %arg1, %mul3A_31 : i32
    %add3A_33 = arith.constant 0 : i32
    %add3A_34 = arith.addi %mul3A_32, %add3A_33 : i32
    "tpu.region"() ({
      %run_scoped3A = tpu.sem_alloc : memref<!tpu.dma_semaphore, #tpu.memory_space<semaphore_mem>>
      %dma_start3A = arith.constant 0 : i32
      %dma_start3A_67 = tpu.memref_slice %arg6[%arg0, %add3A_34, %dma_start3A] : memref<2x10240x64xf32, #tpu.memory_space<hbm>> -> memref<1x128x64xf32, #tpu.memory_space<hbm>>
      %dma_start3A_68 = tpu.memref_squeeze %dma_start3A_67 : memref<1x128x64xf32, #tpu.memory_space<hbm>> -> memref<128x64xf32, #tpu.memory_space<hbm>>
      %dma_start3A_69 = arith.constant 0 : i32
      %dma_start3A_70 = tpu.memref_slice %arg6[%arg0, %add3A_34, %dma_start3A_69] : memref<2x10240x64xf32, #tpu.memory_space<hbm>> -> memref<1x128x64xf32, #tpu.memory_space<hbm>>
      %dma_start3A_71 = tpu.memref_squeeze %dma_start3A_70 : memref<1x128x64xf32, #tpu.memory_space<hbm>> -> memref<128x64xf32, #tpu.memory_space<hbm>>
      tpu.enqueue_dma source(%arg10 : memref<128x64xf32, #tpu.memory_space<vmem>>) target(%dma_start3A_71 : memref<128x64xf32, #tpu.memory_space<hbm>>) target_semaphore(%run_scoped3A : memref<!tpu.dma_semaphore, #tpu.memory_space<semaphore_mem>>)
      %dma_wait3A = arith.constant 0 : i32
      %dma_wait3A_72 = tpu.memref_slice %arg6[%arg0, %add3A_34, %dma_wait3A] : memref<2x10240x64xf32, #tpu.memory_space<hbm>> -> memref<1x128x64xf32, #tpu.memory_space<hbm>>
      %dma_wait3A_73 = tpu.memref_squeeze %dma_wait3A_72 : memref<1x128x64xf32, #tpu.memory_space<hbm>> -> memref<128x64xf32, #tpu.memory_space<hbm>>
      %dma_wait3A_74 = arith.constant 0 : i32
      %dma_wait3A_75 = tpu.memref_slice %arg6[%arg0, %add3A_34, %dma_wait3A_74] : memref<2x10240x64xf32, #tpu.memory_space<hbm>> -> memref<1x128x64xf32, #tpu.memory_space<hbm>>
      %dma_wait3A_76 = tpu.memref_squeeze %dma_wait3A_75 : memref<1x128x64xf32, #tpu.memory_space<hbm>> -> memref<128x64xf32, #tpu.memory_space<hbm>>
      tpu.wait_dma2 semaphore(%run_scoped3A : memref<!tpu.dma_semaphore, #tpu.memory_space<semaphore_mem>>) src(%arg10 : memref<128x64xf32, #tpu.memory_space<vmem>>) dst(%dma_wait3A_76 : memref<128x64xf32, #tpu.memory_space<hbm>>)
      tpu.yield
    }) : () -> ()
    %mul3A_35 = arith.constant 640 : i32
    %mul3A_36 = arith.muli %arg1, %mul3A_35 : i32
    %add3A_37 = arith.constant 128 : i32
    %add3A_38 = arith.addi %mul3A_36, %add3A_37 : i32
    "tpu.region"() ({
      %run_scoped3A = tpu.sem_alloc : memref<!tpu.dma_semaphore, #tpu.memory_space<semaphore_mem>>
      %dma_start3A = arith.constant 0 : i32
      %dma_start3A_67 = tpu.memref_slice %arg11[%add3A_38, %dma_start3A] : memref<10240x64xf32, #tpu.memory_space<vmem_shared>> -> memref<128x64xf32, #tpu.memory_space<vmem_shared>>
      %dma_start3A_68 = arith.constant 0 : i32
      %dma_start3A_69 = tpu.memref_slice %arg11[%add3A_38, %dma_start3A_68] : memref<10240x64xf32, #tpu.memory_space<vmem_shared>> -> memref<128x64xf32, #tpu.memory_space<vmem_shared>>
      tpu.enqueue_dma source(%dma_start3A_69 : memref<128x64xf32, #tpu.memory_space<vmem_shared>>) target(%arg10 : memref<128x64xf32, #tpu.memory_space<vmem>>) target_semaphore(%run_scoped3A : memref<!tpu.dma_semaphore, #tpu.memory_space<semaphore_mem>>)
      %dma_wait3A = arith.constant 0 : i32
      %dma_wait3A_70 = tpu.memref_slice %arg11[%add3A_38, %dma_wait3A] : memref<10240x64xf32, #tpu.memory_space<vmem_shared>> -> memref<128x64xf32, #tpu.memory_space<vmem_shared>>
      %dma_wait3A_71 = arith.constant 0 : i32
      %dma_wait3A_72 = tpu.memref_slice %arg11[%add3A_38, %dma_wait3A_71] : memref<10240x64xf32, #tpu.memory_space<vmem_shared>> -> memref<128x64xf32, #tpu.memory_space<vmem_shared>>
      tpu.wait_dma2 semaphore(%run_scoped3A : memref<!tpu.dma_semaphore, #tpu.memory_space<semaphore_mem>>) src(%dma_wait3A_72 : memref<128x64xf32, #tpu.memory_space<vmem_shared>>) dst(%arg10 : memref<128x64xf32, #tpu.memory_space<vmem>>)
      tpu.yield
    }) : () -> ()
    %mul3A_39 = arith.constant 640 : i32
    %mul3A_40 = arith.muli %arg1, %mul3A_39 : i32
    %add3A_41 = arith.constant 128 : i32
    %add3A_42 = arith.addi %mul3A_40, %add3A_41 : i32
    "tpu.region"() ({
      %run_scoped3A = tpu.sem_alloc : memref<!tpu.dma_semaphore, #tpu.memory_space<semaphore_mem>>
      %dma_start3A = arith.constant 0 : i32
      %dma_start3A_67 = tpu.memref_slice %arg6[%arg0, %add3A_42, %dma_start3A] : memref<2x10240x64xf32, #tpu.memory_space<hbm>> -> memref<1x128x64xf32, #tpu.memory_space<hbm>>
      %dma_start3A_68 = tpu.memref_squeeze %dma_start3A_67 : memref<1x128x64xf32, #tpu.memory_space<hbm>> -> memref<128x64xf32, #tpu.memory_space<hbm>>
      %dma_start3A_69 = arith.constant 0 : i32
      %dma_start3A_70 = tpu.memref_slice %arg6[%arg0, %add3A_42, %dma_start3A_69] : memref<2x10240x64xf32, #tpu.memory_space<hbm>> -> memref<1x128x64xf32, #tpu.memory_space<hbm>>
      %dma_start3A_71 = tpu.memref_squeeze %dma_start3A_70 : memref<1x128x64xf32, #tpu.memory_space<hbm>> -> memref<128x64xf32, #tpu.memory_space<hbm>>
      tpu.enqueue_dma source(%arg10 : memref<128x64xf32, #tpu.memory_space<vmem>>) target(%dma_start3A_71 : memref<128x64xf32, #tpu.memory_space<hbm>>) target_semaphore(%run_scoped3A : memref<!tpu.dma_semaphore, #tpu.memory_space<semaphore_mem>>)
      %dma_wait3A = arith.constant 0 : i32
      %dma_wait3A_72 = tpu.memref_slice %arg6[%arg0, %add3A_42, %dma_wait3A] : memref<2x10240x64xf32, #tpu.memory_space<hbm>> -> memref<1x128x64xf32, #tpu.memory_space<hbm>>
      %dma_wait3A_73 = tpu.memref_squeeze %dma_wait3A_72 : memref<1x128x64xf32, #tpu.memory_space<hbm>> -> memref<128x64xf32, #tpu.memory_space<hbm>>
      %dma_wait3A_74 = arith.constant 0 : i32
      %dma_wait3A_75 = tpu.memref_slice %arg6[%arg0, %add3A_42, %dma_wait3A_74] : memref<2x10240x64xf32, #tpu.memory_space<hbm>> -> memref<1x128x64xf32, #tpu.memory_space<hbm>>
      %dma_wait3A_76 = tpu.memref_squeeze %dma_wait3A_75 : memref<1x128x64xf32, #tpu.memory_space<hbm>> -> memref<128x64xf32, #tpu.memory_space<hbm>>
      tpu.wait_dma2 semaphore(%run_scoped3A : memref<!tpu.dma_semaphore, #tpu.memory_space<semaphore_mem>>) src(%arg10 : memref<128x64xf32, #tpu.memory_space<vmem>>) dst(%dma_wait3A_76 : memref<128x64xf32, #tpu.memory_space<hbm>>)
      tpu.yield
    }) : () -> ()
    %mul3A_43 = arith.constant 640 : i32
    %mul3A_44 = arith.muli %arg1, %mul3A_43 : i32
    %add3A_45 = arith.constant 256 : i32
    %add3A_46 = arith.addi %mul3A_44, %add3A_45 : i32
    "tpu.region"() ({
      %run_scoped3A = tpu.sem_alloc : memref<!tpu.dma_semaphore, #tpu.memory_space<semaphore_mem>>
      %dma_start3A = arith.constant 0 : i32
      %dma_start3A_67 = tpu.memref_slice %arg11[%add3A_46, %dma_start3A] : memref<10240x64xf32, #tpu.memory_space<vmem_shared>> -> memref<128x64xf32, #tpu.memory_space<vmem_shared>>
      %dma_start3A_68 = arith.constant 0 : i32
      %dma_start3A_69 = tpu.memref_slice %arg11[%add3A_46, %dma_start3A_68] : memref<10240x64xf32, #tpu.memory_space<vmem_shared>> -> memref<128x64xf32, #tpu.memory_space<vmem_shared>>
      tpu.enqueue_dma source(%dma_start3A_69 : memref<128x64xf32, #tpu.memory_space<vmem_shared>>) target(%arg10 : memref<128x64xf32, #tpu.memory_space<vmem>>) target_semaphore(%run_scoped3A : memref<!tpu.dma_semaphore, #tpu.memory_space<semaphore_mem>>)
      %dma_wait3A = arith.constant 0 : i32
      %dma_wait3A_70 = tpu.memref_slice %arg11[%add3A_46, %dma_wait3A] : memref<10240x64xf32, #tpu.memory_space<vmem_shared>> -> memref<128x64xf32, #tpu.memory_space<vmem_shared>>
      %dma_wait3A_71 = arith.constant 0 : i32
      %dma_wait3A_72 = tpu.memref_slice %arg11[%add3A_46, %dma_wait3A_71] : memref<10240x64xf32, #tpu.memory_space<vmem_shared>> -> memref<128x64xf32, #tpu.memory_space<vmem_shared>>
      tpu.wait_dma2 semaphore(%run_scoped3A : memref<!tpu.dma_semaphore, #tpu.memory_space<semaphore_mem>>) src(%dma_wait3A_72 : memref<128x64xf32, #tpu.memory_space<vmem_shared>>) dst(%arg10 : memref<128x64xf32, #tpu.memory_space<vmem>>)
      tpu.yield
    }) : () -> ()
    %mul3A_47 = arith.constant 640 : i32
    %mul3A_48 = arith.muli %arg1, %mul3A_47 : i32
    %add3A_49 = arith.constant 256 : i32
    %add3A_50 = arith.addi %mul3A_48, %add3A_49 : i32
    "tpu.region"() ({
      %run_scoped3A = tpu.sem_alloc : memref<!tpu.dma_semaphore, #tpu.memory_space<semaphore_mem>>
      %dma_start3A = arith.constant 0 : i32
      %dma_start3A_67 = tpu.memref_slice %arg6[%arg0, %add3A_50, %dma_start3A] : memref<2x10240x64xf32, #tpu.memory_space<hbm>> -> memref<1x128x64xf32, #tpu.memory_space<hbm>>
      %dma_start3A_68 = tpu.memref_squeeze %dma_start3A_67 : memref<1x128x64xf32, #tpu.memory_space<hbm>> -> memref<128x64xf32, #tpu.memory_space<hbm>>
      %dma_start3A_69 = arith.constant 0 : i32
      %dma_start3A_70 = tpu.memref_slice %arg6[%arg0, %add3A_50, %dma_start3A_69] : memref<2x10240x64xf32, #tpu.memory_space<hbm>> -> memref<1x128x64xf32, #tpu.memory_space<hbm>>
      %dma_start3A_71 = tpu.memref_squeeze %dma_start3A_70 : memref<1x128x64xf32, #tpu.memory_space<hbm>> -> memref<128x64xf32, #tpu.memory_space<hbm>>
      tpu.enqueue_dma source(%arg10 : memref<128x64xf32, #tpu.memory_space<vmem>>) target(%dma_start3A_71 : memref<128x64xf32, #tpu.memory_space<hbm>>) target_semaphore(%run_scoped3A : memref<!tpu.dma_semaphore, #tpu.memory_space<semaphore_mem>>)
      %dma_wait3A = arith.constant 0 : i32
      %dma_wait3A_72 = tpu.memref_slice %arg6[%arg0, %add3A_50, %dma_wait3A] : memref<2x10240x64xf32, #tpu.memory_space<hbm>> -> memref<1x128x64xf32, #tpu.memory_space<hbm>>
      %dma_wait3A_73 = tpu.memref_squeeze %dma_wait3A_72 : memref<1x128x64xf32, #tpu.memory_space<hbm>> -> memref<128x64xf32, #tpu.memory_space<hbm>>
      %dma_wait3A_74 = arith.constant 0 : i32
      %dma_wait3A_75 = tpu.memref_slice %arg6[%arg0, %add3A_50, %dma_wait3A_74] : memref<2x10240x64xf32, #tpu.memory_space<hbm>> -> memref<1x128x64xf32, #tpu.memory_space<hbm>>
      %dma_wait3A_76 = tpu.memref_squeeze %dma_wait3A_75 : memref<1x128x64xf32, #tpu.memory_space<hbm>> -> memref<128x64xf32, #tpu.memory_space<hbm>>
      tpu.wait_dma2 semaphore(%run_scoped3A : memref<!tpu.dma_semaphore, #tpu.memory_space<semaphore_mem>>) src(%arg10 : memref<128x64xf32, #tpu.memory_space<vmem>>) dst(%dma_wait3A_76 : memref<128x64xf32, #tpu.memory_space<hbm>>)
      tpu.yield
    }) : () -> ()
    %mul3A_51 = arith.constant 640 : i32
    %mul3A_52 = arith.muli %arg1, %mul3A_51 : i32
    %add3A_53 = arith.constant 384 : i32
    %add3A_54 = arith.addi %mul3A_52, %add3A_53 : i32
    "tpu.region"() ({
      %run_scoped3A = tpu.sem_alloc : memref<!tpu.dma_semaphore, #tpu.memory_space<semaphore_mem>>
      %dma_start3A = arith.constant 0 : i32
      %dma_start3A_67 = tpu.memref_slice %arg11[%add3A_54, %dma_start3A] : memref<10240x64xf32, #tpu.memory_space<vmem_shared>> -> memref<128x64xf32, #tpu.memory_space<vmem_shared>>
      %dma_start3A_68 = arith.constant 0 : i32
      %dma_start3A_69 = tpu.memref_slice %arg11[%add3A_54, %dma_start3A_68] : memref<10240x64xf32, #tpu.memory_space<vmem_shared>> -> memref<128x64xf32, #tpu.memory_space<vmem_shared>>
      tpu.enqueue_dma source(%dma_start3A_69 : memref<128x64xf32, #tpu.memory_space<vmem_shared>>) target(%arg10 : memref<128x64xf32, #tpu.memory_space<vmem>>) target_semaphore(%run_scoped3A : memref<!tpu.dma_semaphore, #tpu.memory_space<semaphore_mem>>)
      %dma_wait3A = arith.constant 0 : i32
      %dma_wait3A_70 = tpu.memref_slice %arg11[%add3A_54, %dma_wait3A] : memref<10240x64xf32, #tpu.memory_space<vmem_shared>> -> memref<128x64xf32, #tpu.memory_space<vmem_shared>>
      %dma_wait3A_71 = arith.constant 0 : i32
      %dma_wait3A_72 = tpu.memref_slice %arg11[%add3A_54, %dma_wait3A_71] : memref<10240x64xf32, #tpu.memory_space<vmem_shared>> -> memref<128x64xf32, #tpu.memory_space<vmem_shared>>
      tpu.wait_dma2 semaphore(%run_scoped3A : memref<!tpu.dma_semaphore, #tpu.memory_space<semaphore_mem>>) src(%dma_wait3A_72 : memref<128x64xf32, #tpu.memory_space<vmem_shared>>) dst(%arg10 : memref<128x64xf32, #tpu.memory_space<vmem>>)
      tpu.yield
    }) : () -> ()
    %mul3A_55 = arith.constant 640 : i32
    %mul3A_56 = arith.muli %arg1, %mul3A_55 : i32
    %add3A_57 = arith.constant 384 : i32
    %add3A_58 = arith.addi %mul3A_56, %add3A_57 : i32
    "tpu.region"() ({
      %run_scoped3A = tpu.sem_alloc : memref<!tpu.dma_semaphore, #tpu.memory_space<semaphore_mem>>
      %dma_start3A = arith.constant 0 : i32
      %dma_start3A_67 = tpu.memref_slice %arg6[%arg0, %add3A_58, %dma_start3A] : memref<2x10240x64xf32, #tpu.memory_space<hbm>> -> memref<1x128x64xf32, #tpu.memory_space<hbm>>
      %dma_start3A_68 = tpu.memref_squeeze %dma_start3A_67 : memref<1x128x64xf32, #tpu.memory_space<hbm>> -> memref<128x64xf32, #tpu.memory_space<hbm>>
      %dma_start3A_69 = arith.constant 0 : i32
      %dma_start3A_70 = tpu.memref_slice %arg6[%arg0, %add3A_58, %dma_start3A_69] : memref<2x10240x64xf32, #tpu.memory_space<hbm>> -> memref<1x128x64xf32, #tpu.memory_space<hbm>>
      %dma_start3A_71 = tpu.memref_squeeze %dma_start3A_70 : memref<1x128x64xf32, #tpu.memory_space<hbm>> -> memref<128x64xf32, #tpu.memory_space<hbm>>
      tpu.enqueue_dma source(%arg10 : memref<128x64xf32, #tpu.memory_space<vmem>>) target(%dma_start3A_71 : memref<128x64xf32, #tpu.memory_space<hbm>>) target_semaphore(%run_scoped3A : memref<!tpu.dma_semaphore, #tpu.memory_space<semaphore_mem>>)
      %dma_wait3A = arith.constant 0 : i32
      %dma_wait3A_72 = tpu.memref_slice %arg6[%arg0, %add3A_58, %dma_wait3A] : memref<2x10240x64xf32, #tpu.memory_space<hbm>> -> memref<1x128x64xf32, #tpu.memory_space<hbm>>
      %dma_wait3A_73 = tpu.memref_squeeze %dma_wait3A_72 : memref<1x128x64xf32, #tpu.memory_space<hbm>> -> memref<128x64xf32, #tpu.memory_space<hbm>>
      %dma_wait3A_74 = arith.constant 0 : i32
      %dma_wait3A_75 = tpu.memref_slice %arg6[%arg0, %add3A_58, %dma_wait3A_74] : memref<2x10240x64xf32, #tpu.memory_space<hbm>> -> memref<1x128x64xf32, #tpu.memory_space<hbm>>
      %dma_wait3A_76 = tpu.memref_squeeze %dma_wait3A_75 : memref<1x128x64xf32, #tpu.memory_space<hbm>> -> memref<128x64xf32, #tpu.memory_space<hbm>>
      tpu.wait_dma2 semaphore(%run_scoped3A : memref<!tpu.dma_semaphore, #tpu.memory_space<semaphore_mem>>) src(%arg10 : memref<128x64xf32, #tpu.memory_space<vmem>>) dst(%dma_wait3A_76 : memref<128x64xf32, #tpu.memory_space<hbm>>)
      tpu.yield
    }) : () -> ()
    %mul3A_59 = arith.constant 640 : i32
    %mul3A_60 = arith.muli %arg1, %mul3A_59 : i32
    %add3A_61 = arith.constant 512 : i32
    %add3A_62 = arith.addi %mul3A_60, %add3A_61 : i32
    "tpu.region"() ({
      %run_scoped3A = tpu.sem_alloc : memref<!tpu.dma_semaphore, #tpu.memory_space<semaphore_mem>>
      %dma_start3A = arith.constant 0 : i32
      %dma_start3A_67 = tpu.memref_slice %arg11[%add3A_62, %dma_start3A] : memref<10240x64xf32, #tpu.memory_space<vmem_shared>> -> memref<128x64xf32, #tpu.memory_space<vmem_shared>>
      %dma_start3A_68 = arith.constant 0 : i32
      %dma_start3A_69 = tpu.memref_slice %arg11[%add3A_62, %dma_start3A_68] : memref<10240x64xf32, #tpu.memory_space<vmem_shared>> -> memref<128x64xf32, #tpu.memory_space<vmem_shared>>
      tpu.enqueue_dma source(%dma_start3A_69 : memref<128x64xf32, #tpu.memory_space<vmem_shared>>) target(%arg10 : memref<128x64xf32, #tpu.memory_space<vmem>>) target_semaphore(%run_scoped3A : memref<!tpu.dma_semaphore, #tpu.memory_space<semaphore_mem>>)
      %dma_wait3A = arith.constant 0 : i32
      %dma_wait3A_70 = tpu.memref_slice %arg11[%add3A_62, %dma_wait3A] : memref<10240x64xf32, #tpu.memory_space<vmem_shared>> -> memref<128x64xf32, #tpu.memory_space<vmem_shared>>
      %dma_wait3A_71 = arith.constant 0 : i32
      %dma_wait3A_72 = tpu.memref_slice %arg11[%add3A_62, %dma_wait3A_71] : memref<10240x64xf32, #tpu.memory_space<vmem_shared>> -> memref<128x64xf32, #tpu.memory_space<vmem_shared>>
      tpu.wait_dma2 semaphore(%run_scoped3A : memref<!tpu.dma_semaphore, #tpu.memory_space<semaphore_mem>>) src(%dma_wait3A_72 : memref<128x64xf32, #tpu.memory_space<vmem_shared>>) dst(%arg10 : memref<128x64xf32, #tpu.memory_space<vmem>>)
      tpu.yield
    }) : () -> ()
    %mul3A_63 = arith.constant 640 : i32
    %mul3A_64 = arith.muli %arg1, %mul3A_63 : i32
    %add3A_65 = arith.constant 512 : i32
    %add3A_66 = arith.addi %mul3A_64, %add3A_65 : i32
    "tpu.region"() ({
      %run_scoped3A = tpu.sem_alloc : memref<!tpu.dma_semaphore, #tpu.memory_space<semaphore_mem>>
      %dma_start3A = arith.constant 0 : i32
      %dma_start3A_67 = tpu.memref_slice %arg6[%arg0, %add3A_66, %dma_start3A] : memref<2x10240x64xf32, #tpu.memory_space<hbm>> -> memref<1x128x64xf32, #tpu.memory_space<hbm>>
      %dma_start3A_68 = tpu.memref_squeeze %dma_start3A_67 : memref<1x128x64xf32, #tpu.memory_space<hbm>> -> memref<128x64xf32, #tpu.memory_space<hbm>>
      %dma_start3A_69 = arith.constant 0 : i32
      %dma_start3A_70 = tpu.memref_slice %arg6[%arg0, %add3A_66, %dma_start3A_69] : memref<2x10240x64xf32, #tpu.memory_space<hbm>> -> memref<1x128x64xf32, #tpu.memory_space<hbm>>
      %dma_start3A_71 = tpu.memref_squeeze %dma_start3A_70 : memref<1x128x64xf32, #tpu.memory_space<hbm>> -> memref<128x64xf32, #tpu.memory_space<hbm>>
      tpu.enqueue_dma source(%arg10 : memref<128x64xf32, #tpu.memory_space<vmem>>) target(%dma_start3A_71 : memref<128x64xf32, #tpu.memory_space<hbm>>) target_semaphore(%run_scoped3A : memref<!tpu.dma_semaphore, #tpu.memory_space<semaphore_mem>>)
      %dma_wait3A = arith.constant 0 : i32
      %dma_wait3A_72 = tpu.memref_slice %arg6[%arg0, %add3A_66, %dma_wait3A] : memref<2x10240x64xf32, #tpu.memory_space<hbm>> -> memref<1x128x64xf32, #tpu.memory_space<hbm>>
      %dma_wait3A_73 = tpu.memref_squeeze %dma_wait3A_72 : memref<1x128x64xf32, #tpu.memory_space<hbm>> -> memref<128x64xf32, #tpu.memory_space<hbm>>
      %dma_wait3A_74 = arith.constant 0 : i32
      %dma_wait3A_75 = tpu.memref_slice %arg6[%arg0, %add3A_66, %dma_wait3A_74] : memref<2x10240x64xf32, #tpu.memory_space<hbm>> -> memref<1x128x64xf32, #tpu.memory_space<hbm>>
      %dma_wait3A_76 = tpu.memref_squeeze %dma_wait3A_75 : memref<1x128x64xf32, #tpu.memory_space<hbm>> -> memref<128x64xf32, #tpu.memory_space<hbm>>
      tpu.wait_dma2 semaphore(%run_scoped3A : memref<!tpu.dma_semaphore, #tpu.memory_space<semaphore_mem>>) src(%arg10 : memref<128x64xf32, #tpu.memory_space<vmem>>) dst(%dma_wait3A_76 : memref<128x64xf32, #tpu.memory_space<hbm>>)
      tpu.yield
    }) : () -> ()
    return
  }
}

#map = affine_map<(d0, d1) -> (0, 0, 0)>
#map1 = affine_map<(d0, d1) -> (0, 0)>
module attributes {stable_mosaic.version = 14 : i64} {
  func.func @agg_kernel(%arg0: i32, %arg1: i32, %arg2: memref<16x158x128xi32, #tpu.memory_space<hbm>>, %arg3: memref<16x158x128xi32, #tpu.memory_space<hbm>>, %arg4: memref<10240x64xf32, #tpu.memory_space<hbm>>, %arg5: memref<10240x64xf32, #tpu.memory_space<hbm>>, %arg6: memref<128x64xf32, #tpu.memory_space<hbm>>, %arg7: memref<2x10240x64xf32, #tpu.memory_space<hbm>>, %arg8: memref<158x128xi32, #tpu.memory_space<vmem>>, %arg9: memref<158x128xi32, #tpu.memory_space<vmem>>, %arg10: memref<128x64xf32, #tpu.memory_space<vmem>>, %arg11: memref<128x64xf32, #tpu.memory_space<vmem>>, %arg12: memref<10240x64xf32, #tpu.memory_space<vmem_shared>>, %arg13: memref<!tpu.dma_semaphore, #tpu.memory_space<semaphore_mem>>) attributes {dimension_semantics = [#tpu.dimension_semantics<core_parallel>, #tpu.dimension_semantics<subcore_parallel>], iteration_bounds = array<i64: 2, 16>, scalar_prefetch = 0 : i64, scratch_operands = 6 : i64, tpu.core_type = #tpu.core_type<sc_vector_subcore>, window_params = [{transform_indices = #map}, {transform_indices = #map}, {transform_indices = #map1}, {transform_indices = #map1}, {transform_indices = #map1}, {transform_indices = #map}]} {
    "tpu.region"() ({
      %run_scoped3A = tpu.sem_alloc : memref<!tpu.dma_semaphore, #tpu.memory_space<semaphore_mem>>
      %dma_start3A = arith.constant 0 : i32
      %dma_start3A_65 = arith.constant 0 : i32
      %dma_start3A_66 = tpu.memref_slice %arg2[%arg1, %dma_start3A, %dma_start3A_65] : memref<16x158x128xi32, #tpu.memory_space<hbm>> -> memref<1x158x128xi32, #tpu.memory_space<hbm>>
      %dma_start3A_67 = tpu.memref_squeeze %dma_start3A_66 : memref<1x158x128xi32, #tpu.memory_space<hbm>> -> memref<158x128xi32, #tpu.memory_space<hbm>>
      %dma_start3A_68 = arith.constant 0 : i32
      %dma_start3A_69 = arith.constant 0 : i32
      %dma_start3A_70 = tpu.memref_slice %arg2[%arg1, %dma_start3A_68, %dma_start3A_69] : memref<16x158x128xi32, #tpu.memory_space<hbm>> -> memref<1x158x128xi32, #tpu.memory_space<hbm>>
      %dma_start3A_71 = tpu.memref_squeeze %dma_start3A_70 : memref<1x158x128xi32, #tpu.memory_space<hbm>> -> memref<158x128xi32, #tpu.memory_space<hbm>>
      tpu.enqueue_dma source(%dma_start3A_71 : memref<158x128xi32, #tpu.memory_space<hbm>>) target(%arg8 : memref<158x128xi32, #tpu.memory_space<vmem>>) target_semaphore(%run_scoped3A : memref<!tpu.dma_semaphore, #tpu.memory_space<semaphore_mem>>)
      %dma_wait3A = arith.constant 0 : i32
      %dma_wait3A_72 = arith.constant 0 : i32
      %dma_wait3A_73 = tpu.memref_slice %arg2[%arg1, %dma_wait3A, %dma_wait3A_72] : memref<16x158x128xi32, #tpu.memory_space<hbm>> -> memref<1x158x128xi32, #tpu.memory_space<hbm>>
      %dma_wait3A_74 = tpu.memref_squeeze %dma_wait3A_73 : memref<1x158x128xi32, #tpu.memory_space<hbm>> -> memref<158x128xi32, #tpu.memory_space<hbm>>
      %dma_wait3A_75 = arith.constant 0 : i32
      %dma_wait3A_76 = arith.constant 0 : i32
      %dma_wait3A_77 = tpu.memref_slice %arg2[%arg1, %dma_wait3A_75, %dma_wait3A_76] : memref<16x158x128xi32, #tpu.memory_space<hbm>> -> memref<1x158x128xi32, #tpu.memory_space<hbm>>
      %dma_wait3A_78 = tpu.memref_squeeze %dma_wait3A_77 : memref<1x158x128xi32, #tpu.memory_space<hbm>> -> memref<158x128xi32, #tpu.memory_space<hbm>>
      tpu.wait_dma2 semaphore(%run_scoped3A : memref<!tpu.dma_semaphore, #tpu.memory_space<semaphore_mem>>) src(%dma_wait3A_78 : memref<158x128xi32, #tpu.memory_space<hbm>>) dst(%arg8 : memref<158x128xi32, #tpu.memory_space<vmem>>)
      tpu.yield
    }) : () -> ()
    "tpu.region"() ({
      %run_scoped3A = tpu.sem_alloc : memref<!tpu.dma_semaphore, #tpu.memory_space<semaphore_mem>>
      %dma_start3A = arith.constant 0 : i32
      %dma_start3A_65 = arith.constant 0 : i32
      %dma_start3A_66 = tpu.memref_slice %arg3[%arg1, %dma_start3A, %dma_start3A_65] : memref<16x158x128xi32, #tpu.memory_space<hbm>> -> memref<1x158x128xi32, #tpu.memory_space<hbm>>
      %dma_start3A_67 = tpu.memref_squeeze %dma_start3A_66 : memref<1x158x128xi32, #tpu.memory_space<hbm>> -> memref<158x128xi32, #tpu.memory_space<hbm>>
      %dma_start3A_68 = arith.constant 0 : i32
      %dma_start3A_69 = arith.constant 0 : i32
      %dma_start3A_70 = tpu.memref_slice %arg3[%arg1, %dma_start3A_68, %dma_start3A_69] : memref<16x158x128xi32, #tpu.memory_space<hbm>> -> memref<1x158x128xi32, #tpu.memory_space<hbm>>
      %dma_start3A_71 = tpu.memref_squeeze %dma_start3A_70 : memref<1x158x128xi32, #tpu.memory_space<hbm>> -> memref<158x128xi32, #tpu.memory_space<hbm>>
      tpu.enqueue_dma source(%dma_start3A_71 : memref<158x128xi32, #tpu.memory_space<hbm>>) target(%arg9 : memref<158x128xi32, #tpu.memory_space<vmem>>) target_semaphore(%run_scoped3A : memref<!tpu.dma_semaphore, #tpu.memory_space<semaphore_mem>>)
      %dma_wait3A = arith.constant 0 : i32
      %dma_wait3A_72 = arith.constant 0 : i32
      %dma_wait3A_73 = tpu.memref_slice %arg3[%arg1, %dma_wait3A, %dma_wait3A_72] : memref<16x158x128xi32, #tpu.memory_space<hbm>> -> memref<1x158x128xi32, #tpu.memory_space<hbm>>
      %dma_wait3A_74 = tpu.memref_squeeze %dma_wait3A_73 : memref<1x158x128xi32, #tpu.memory_space<hbm>> -> memref<158x128xi32, #tpu.memory_space<hbm>>
      %dma_wait3A_75 = arith.constant 0 : i32
      %dma_wait3A_76 = arith.constant 0 : i32
      %dma_wait3A_77 = tpu.memref_slice %arg3[%arg1, %dma_wait3A_75, %dma_wait3A_76] : memref<16x158x128xi32, #tpu.memory_space<hbm>> -> memref<1x158x128xi32, #tpu.memory_space<hbm>>
      %dma_wait3A_78 = tpu.memref_squeeze %dma_wait3A_77 : memref<1x158x128xi32, #tpu.memory_space<hbm>> -> memref<158x128xi32, #tpu.memory_space<hbm>>
      tpu.wait_dma2 semaphore(%run_scoped3A : memref<!tpu.dma_semaphore, #tpu.memory_space<semaphore_mem>>) src(%dma_wait3A_78 : memref<158x128xi32, #tpu.memory_space<hbm>>) dst(%arg9 : memref<158x128xi32, #tpu.memory_space<vmem>>)
      tpu.yield
    }) : () -> ()
    "tpu.region"() ({
      %run_scoped3A = tpu.sem_alloc : memref<!tpu.dma_semaphore, #tpu.memory_space<semaphore_mem>>
      tpu.enqueue_dma source(%arg6 : memref<128x64xf32, #tpu.memory_space<hbm>>) target(%arg11 : memref<128x64xf32, #tpu.memory_space<vmem>>) target_semaphore(%run_scoped3A : memref<!tpu.dma_semaphore, #tpu.memory_space<semaphore_mem>>)
      tpu.wait_dma2 semaphore(%run_scoped3A : memref<!tpu.dma_semaphore, #tpu.memory_space<semaphore_mem>>) src(%arg6 : memref<128x64xf32, #tpu.memory_space<hbm>>) dst(%arg11 : memref<128x64xf32, #tpu.memory_space<vmem>>)
      tpu.yield
    }) : () -> ()
    %mul3A = arith.constant 640 : i32
    %mul3A_0 = arith.muli %arg1, %mul3A : i32
    %add3A = arith.constant 0 : i32
    %add3A_1 = arith.addi %mul3A_0, %add3A : i32
    "tpu.region"() ({
      %run_scoped3A = tpu.sem_alloc : memref<!tpu.dma_semaphore, #tpu.memory_space<semaphore_mem>>
      %dma_start3A = arith.constant 0 : i32
      %dma_start3A_65 = tpu.memref_slice %arg12[%add3A_1, %dma_start3A] : memref<10240x64xf32, #tpu.memory_space<vmem_shared>> -> memref<128x64xf32, #tpu.memory_space<vmem_shared>>
      %dma_start3A_66 = arith.constant 0 : i32
      %dma_start3A_67 = tpu.memref_slice %arg12[%add3A_1, %dma_start3A_66] : memref<10240x64xf32, #tpu.memory_space<vmem_shared>> -> memref<128x64xf32, #tpu.memory_space<vmem_shared>>
      tpu.enqueue_dma source(%arg11 : memref<128x64xf32, #tpu.memory_space<vmem>>) target(%dma_start3A_67 : memref<128x64xf32, #tpu.memory_space<vmem_shared>>) target_semaphore(%run_scoped3A : memref<!tpu.dma_semaphore, #tpu.memory_space<semaphore_mem>>)
      %dma_wait3A = arith.constant 0 : i32
      %dma_wait3A_68 = tpu.memref_slice %arg12[%add3A_1, %dma_wait3A] : memref<10240x64xf32, #tpu.memory_space<vmem_shared>> -> memref<128x64xf32, #tpu.memory_space<vmem_shared>>
      %dma_wait3A_69 = arith.constant 0 : i32
      %dma_wait3A_70 = tpu.memref_slice %arg12[%add3A_1, %dma_wait3A_69] : memref<10240x64xf32, #tpu.memory_space<vmem_shared>> -> memref<128x64xf32, #tpu.memory_space<vmem_shared>>
      tpu.wait_dma2 semaphore(%run_scoped3A : memref<!tpu.dma_semaphore, #tpu.memory_space<semaphore_mem>>) src(%arg11 : memref<128x64xf32, #tpu.memory_space<vmem>>) dst(%dma_wait3A_70 : memref<128x64xf32, #tpu.memory_space<vmem_shared>>)
      tpu.yield
    }) : () -> ()
    %mul3A_2 = arith.constant 640 : i32
    %mul3A_3 = arith.muli %arg1, %mul3A_2 : i32
    %add3A_4 = arith.constant 128 : i32
    %add3A_5 = arith.addi %mul3A_3, %add3A_4 : i32
    "tpu.region"() ({
      %run_scoped3A = tpu.sem_alloc : memref<!tpu.dma_semaphore, #tpu.memory_space<semaphore_mem>>
      %dma_start3A = arith.constant 0 : i32
      %dma_start3A_65 = tpu.memref_slice %arg12[%add3A_5, %dma_start3A] : memref<10240x64xf32, #tpu.memory_space<vmem_shared>> -> memref<128x64xf32, #tpu.memory_space<vmem_shared>>
      %dma_start3A_66 = arith.constant 0 : i32
      %dma_start3A_67 = tpu.memref_slice %arg12[%add3A_5, %dma_start3A_66] : memref<10240x64xf32, #tpu.memory_space<vmem_shared>> -> memref<128x64xf32, #tpu.memory_space<vmem_shared>>
      tpu.enqueue_dma source(%arg11 : memref<128x64xf32, #tpu.memory_space<vmem>>) target(%dma_start3A_67 : memref<128x64xf32, #tpu.memory_space<vmem_shared>>) target_semaphore(%run_scoped3A : memref<!tpu.dma_semaphore, #tpu.memory_space<semaphore_mem>>)
      %dma_wait3A = arith.constant 0 : i32
      %dma_wait3A_68 = tpu.memref_slice %arg12[%add3A_5, %dma_wait3A] : memref<10240x64xf32, #tpu.memory_space<vmem_shared>> -> memref<128x64xf32, #tpu.memory_space<vmem_shared>>
      %dma_wait3A_69 = arith.constant 0 : i32
      %dma_wait3A_70 = tpu.memref_slice %arg12[%add3A_5, %dma_wait3A_69] : memref<10240x64xf32, #tpu.memory_space<vmem_shared>> -> memref<128x64xf32, #tpu.memory_space<vmem_shared>>
      tpu.wait_dma2 semaphore(%run_scoped3A : memref<!tpu.dma_semaphore, #tpu.memory_space<semaphore_mem>>) src(%arg11 : memref<128x64xf32, #tpu.memory_space<vmem>>) dst(%dma_wait3A_70 : memref<128x64xf32, #tpu.memory_space<vmem_shared>>)
      tpu.yield
    }) : () -> ()
    %mul3A_6 = arith.constant 640 : i32
    %mul3A_7 = arith.muli %arg1, %mul3A_6 : i32
    %add3A_8 = arith.constant 256 : i32
    %add3A_9 = arith.addi %mul3A_7, %add3A_8 : i32
    "tpu.region"() ({
      %run_scoped3A = tpu.sem_alloc : memref<!tpu.dma_semaphore, #tpu.memory_space<semaphore_mem>>
      %dma_start3A = arith.constant 0 : i32
      %dma_start3A_65 = tpu.memref_slice %arg12[%add3A_9, %dma_start3A] : memref<10240x64xf32, #tpu.memory_space<vmem_shared>> -> memref<128x64xf32, #tpu.memory_space<vmem_shared>>
      %dma_start3A_66 = arith.constant 0 : i32
      %dma_start3A_67 = tpu.memref_slice %arg12[%add3A_9, %dma_start3A_66] : memref<10240x64xf32, #tpu.memory_space<vmem_shared>> -> memref<128x64xf32, #tpu.memory_space<vmem_shared>>
      tpu.enqueue_dma source(%arg11 : memref<128x64xf32, #tpu.memory_space<vmem>>) target(%dma_start3A_67 : memref<128x64xf32, #tpu.memory_space<vmem_shared>>) target_semaphore(%run_scoped3A : memref<!tpu.dma_semaphore, #tpu.memory_space<semaphore_mem>>)
      %dma_wait3A = arith.constant 0 : i32
      %dma_wait3A_68 = tpu.memref_slice %arg12[%add3A_9, %dma_wait3A] : memref<10240x64xf32, #tpu.memory_space<vmem_shared>> -> memref<128x64xf32, #tpu.memory_space<vmem_shared>>
      %dma_wait3A_69 = arith.constant 0 : i32
      %dma_wait3A_70 = tpu.memref_slice %arg12[%add3A_9, %dma_wait3A_69] : memref<10240x64xf32, #tpu.memory_space<vmem_shared>> -> memref<128x64xf32, #tpu.memory_space<vmem_shared>>
      tpu.wait_dma2 semaphore(%run_scoped3A : memref<!tpu.dma_semaphore, #tpu.memory_space<semaphore_mem>>) src(%arg11 : memref<128x64xf32, #tpu.memory_space<vmem>>) dst(%dma_wait3A_70 : memref<128x64xf32, #tpu.memory_space<vmem_shared>>)
      tpu.yield
    }) : () -> ()
    %mul3A_10 = arith.constant 640 : i32
    %mul3A_11 = arith.muli %arg1, %mul3A_10 : i32
    %add3A_12 = arith.constant 384 : i32
    %add3A_13 = arith.addi %mul3A_11, %add3A_12 : i32
    "tpu.region"() ({
      %run_scoped3A = tpu.sem_alloc : memref<!tpu.dma_semaphore, #tpu.memory_space<semaphore_mem>>
      %dma_start3A = arith.constant 0 : i32
      %dma_start3A_65 = tpu.memref_slice %arg12[%add3A_13, %dma_start3A] : memref<10240x64xf32, #tpu.memory_space<vmem_shared>> -> memref<128x64xf32, #tpu.memory_space<vmem_shared>>
      %dma_start3A_66 = arith.constant 0 : i32
      %dma_start3A_67 = tpu.memref_slice %arg12[%add3A_13, %dma_start3A_66] : memref<10240x64xf32, #tpu.memory_space<vmem_shared>> -> memref<128x64xf32, #tpu.memory_space<vmem_shared>>
      tpu.enqueue_dma source(%arg11 : memref<128x64xf32, #tpu.memory_space<vmem>>) target(%dma_start3A_67 : memref<128x64xf32, #tpu.memory_space<vmem_shared>>) target_semaphore(%run_scoped3A : memref<!tpu.dma_semaphore, #tpu.memory_space<semaphore_mem>>)
      %dma_wait3A = arith.constant 0 : i32
      %dma_wait3A_68 = tpu.memref_slice %arg12[%add3A_13, %dma_wait3A] : memref<10240x64xf32, #tpu.memory_space<vmem_shared>> -> memref<128x64xf32, #tpu.memory_space<vmem_shared>>
      %dma_wait3A_69 = arith.constant 0 : i32
      %dma_wait3A_70 = tpu.memref_slice %arg12[%add3A_13, %dma_wait3A_69] : memref<10240x64xf32, #tpu.memory_space<vmem_shared>> -> memref<128x64xf32, #tpu.memory_space<vmem_shared>>
      tpu.wait_dma2 semaphore(%run_scoped3A : memref<!tpu.dma_semaphore, #tpu.memory_space<semaphore_mem>>) src(%arg11 : memref<128x64xf32, #tpu.memory_space<vmem>>) dst(%dma_wait3A_70 : memref<128x64xf32, #tpu.memory_space<vmem_shared>>)
      tpu.yield
    }) : () -> ()
    %mul3A_14 = arith.constant 640 : i32
    %mul3A_15 = arith.muli %arg1, %mul3A_14 : i32
    %add3A_16 = arith.constant 512 : i32
    %add3A_17 = arith.addi %mul3A_15, %add3A_16 : i32
    "tpu.region"() ({
      %run_scoped3A = tpu.sem_alloc : memref<!tpu.dma_semaphore, #tpu.memory_space<semaphore_mem>>
      %dma_start3A = arith.constant 0 : i32
      %dma_start3A_65 = tpu.memref_slice %arg12[%add3A_17, %dma_start3A] : memref<10240x64xf32, #tpu.memory_space<vmem_shared>> -> memref<128x64xf32, #tpu.memory_space<vmem_shared>>
      %dma_start3A_66 = arith.constant 0 : i32
      %dma_start3A_67 = tpu.memref_slice %arg12[%add3A_17, %dma_start3A_66] : memref<10240x64xf32, #tpu.memory_space<vmem_shared>> -> memref<128x64xf32, #tpu.memory_space<vmem_shared>>
      tpu.enqueue_dma source(%arg11 : memref<128x64xf32, #tpu.memory_space<vmem>>) target(%dma_start3A_67 : memref<128x64xf32, #tpu.memory_space<vmem_shared>>) target_semaphore(%run_scoped3A : memref<!tpu.dma_semaphore, #tpu.memory_space<semaphore_mem>>)
      %dma_wait3A = arith.constant 0 : i32
      %dma_wait3A_68 = tpu.memref_slice %arg12[%add3A_17, %dma_wait3A] : memref<10240x64xf32, #tpu.memory_space<vmem_shared>> -> memref<128x64xf32, #tpu.memory_space<vmem_shared>>
      %dma_wait3A_69 = arith.constant 0 : i32
      %dma_wait3A_70 = tpu.memref_slice %arg12[%add3A_17, %dma_wait3A_69] : memref<10240x64xf32, #tpu.memory_space<vmem_shared>> -> memref<128x64xf32, #tpu.memory_space<vmem_shared>>
      tpu.wait_dma2 semaphore(%run_scoped3A : memref<!tpu.dma_semaphore, #tpu.memory_space<semaphore_mem>>) src(%arg11 : memref<128x64xf32, #tpu.memory_space<vmem>>) dst(%dma_wait3A_70 : memref<128x64xf32, #tpu.memory_space<vmem_shared>>)
      tpu.yield
    }) : () -> ()
    %barrier3A = arith.constant 0 : index
    tpu.barrier barrier_id(%barrier3A)
    %eq3A = arith.constant 0 : i32
    %eq3A_18 = arith.cmpi eq, %arg0, %eq3A : i32
    %convert_element_type3A = arith.extui %eq3A_18 : i1 to i32
    %cond3A = arith.constant 0 : i32
    %cond3A_19 = arith.cmpi ne, %convert_element_type3A, %cond3A : i32
    scf.if %cond3A_19 {
      %scan3A = arith.constant 0 : i32
      %scan3A_65 = arith.constant 0 : i32
      %scan3A_66 = arith.constant 158 : i32
      %scan3A_67 = arith.addi %scan3A_65, %scan3A_66 : i32
      %scan3A_68 = arith.constant 1 : i32
      scf.for %scan3A_70 = %scan3A_65 to %scan3A_67 step %scan3A_68  : i32 {
        %dma_start3A = arith.constant 0 : i32
        %dma_start3A_71 = tpu.memref_slice %arg8[%scan3A_70, %dma_start3A] : memref<158x128xi32, #tpu.memory_space<vmem>> -> memref<1x128xi32, #tpu.memory_space<vmem>>
        %dma_start3A_72 = tpu.memref_squeeze %dma_start3A_71 : memref<1x128xi32, #tpu.memory_space<vmem>> -> memref<128xi32, #tpu.memory_space<vmem>>
        %dma_start3A_73 = arith.constant 0 : i32
        %dma_start3A_74 = arith.constant 0 : i32
        %dma_start3A_75 = tpu.memref_slice %arg4[%dma_start3A_73, %dma_start3A_74] : memref<10240x64xf32, #tpu.memory_space<hbm>> -> memref<10240x64xf32, #tpu.memory_space<hbm>>
        tpu.enqueue_indirect_dma source(%dma_start3A_75 : memref<10240x64xf32, #tpu.memory_space<hbm>>) target(%arg10 : memref<128x64xf32, #tpu.memory_space<vmem>>) offsets(%dma_start3A_72 : memref<128xi32, #tpu.memory_space<vmem>>) semaphore(%arg13 : memref<!tpu.dma_semaphore, #tpu.memory_space<semaphore_mem>>)
        %dma_wait3A = arith.constant 0 : i32
        %dma_wait3A_76 = tpu.memref_slice %arg8[%scan3A_70, %dma_wait3A] : memref<158x128xi32, #tpu.memory_space<vmem>> -> memref<1x128xi32, #tpu.memory_space<vmem>>
        %dma_wait3A_77 = tpu.memref_squeeze %dma_wait3A_76 : memref<1x128xi32, #tpu.memory_space<vmem>> -> memref<128xi32, #tpu.memory_space<vmem>>
        %dma_wait3A_78 = arith.constant 0 : i32
        %dma_wait3A_79 = arith.constant 0 : i32
        %dma_wait3A_80 = tpu.memref_slice %arg4[%dma_wait3A_78, %dma_wait3A_79] : memref<10240x64xf32, #tpu.memory_space<hbm>> -> memref<10240x64xf32, #tpu.memory_space<hbm>>
        tpu.wait_indirect_dma semaphore(%arg13 : memref<!tpu.dma_semaphore, #tpu.memory_space<semaphore_mem>>) src(%dma_wait3A_80 : memref<10240x64xf32, #tpu.memory_space<hbm>>) dst(%arg10 : memref<128x64xf32, #tpu.memory_space<vmem>>)
        "tpu.region"() ({
          %run_scoped3A = tpu.sem_alloc : memref<!tpu.dma_semaphore, #tpu.memory_space<semaphore_mem>>
          %dma_start3A_81 = arith.constant 0 : i32
          %dma_start3A_82 = tpu.memref_slice %arg9[%scan3A_70, %dma_start3A_81] : memref<158x128xi32, #tpu.memory_space<vmem>> -> memref<1x128xi32, #tpu.memory_space<vmem>>
          %dma_start3A_83 = tpu.memref_squeeze %dma_start3A_82 : memref<1x128xi32, #tpu.memory_space<vmem>> -> memref<128xi32, #tpu.memory_space<vmem>>
          %dma_start3A_84 = arith.constant 0 : i32
          %dma_start3A_85 = arith.constant 0 : i32
          %dma_start3A_86 = tpu.memref_slice %arg12[%dma_start3A_84, %dma_start3A_85] : memref<10240x64xf32, #tpu.memory_space<vmem_shared>> -> memref<10240x64xf32, #tpu.memory_space<vmem_shared>>
          tpu.enqueue_indirect_dma source(%arg10 : memref<128x64xf32, #tpu.memory_space<vmem>>) target(%dma_start3A_86 : memref<10240x64xf32, #tpu.memory_space<vmem_shared>>) offsets(%dma_start3A_83 : memref<128xi32, #tpu.memory_space<vmem>>) semaphore(%run_scoped3A : memref<!tpu.dma_semaphore, #tpu.memory_space<semaphore_mem>>) {add = true}
          %dma_wait3A_87 = arith.constant 0 : i32
          %dma_wait3A_88 = tpu.memref_slice %arg9[%scan3A_70, %dma_wait3A_87] : memref<158x128xi32, #tpu.memory_space<vmem>> -> memref<1x128xi32, #tpu.memory_space<vmem>>
          %dma_wait3A_89 = tpu.memref_squeeze %dma_wait3A_88 : memref<1x128xi32, #tpu.memory_space<vmem>> -> memref<128xi32, #tpu.memory_space<vmem>>
          %dma_wait3A_90 = arith.constant 0 : i32
          %dma_wait3A_91 = arith.constant 0 : i32
          %dma_wait3A_92 = tpu.memref_slice %arg12[%dma_wait3A_90, %dma_wait3A_91] : memref<10240x64xf32, #tpu.memory_space<vmem_shared>> -> memref<10240x64xf32, #tpu.memory_space<vmem_shared>>
          tpu.wait_indirect_dma semaphore(%run_scoped3A : memref<!tpu.dma_semaphore, #tpu.memory_space<semaphore_mem>>) src(%arg10 : memref<128x64xf32, #tpu.memory_space<vmem>>) dst(%dma_wait3A_92 : memref<10240x64xf32, #tpu.memory_space<vmem_shared>>)
          tpu.yield
        }) : () -> ()
      }
      %scan3A_69 = arith.constant 158 : i32
    } else {
    }
    %ne3A = arith.constant 0 : i32
    %ne3A_20 = arith.cmpi ne, %arg0, %ne3A : i32
    %convert_element_type3A_21 = arith.extui %ne3A_20 : i1 to i32
    %cond3A_22 = arith.constant 0 : i32
    %cond3A_23 = arith.cmpi ne, %convert_element_type3A_21, %cond3A_22 : i32
    scf.if %cond3A_23 {
      %scan3A = arith.constant 0 : i32
      %scan3A_65 = arith.constant 0 : i32
      %scan3A_66 = arith.constant 158 : i32
      %scan3A_67 = arith.addi %scan3A_65, %scan3A_66 : i32
      %scan3A_68 = arith.constant 1 : i32
      scf.for %scan3A_70 = %scan3A_65 to %scan3A_67 step %scan3A_68  : i32 {
        %dma_start3A = arith.constant 0 : i32
        %dma_start3A_71 = tpu.memref_slice %arg8[%scan3A_70, %dma_start3A] : memref<158x128xi32, #tpu.memory_space<vmem>> -> memref<1x128xi32, #tpu.memory_space<vmem>>
        %dma_start3A_72 = tpu.memref_squeeze %dma_start3A_71 : memref<1x128xi32, #tpu.memory_space<vmem>> -> memref<128xi32, #tpu.memory_space<vmem>>
        %dma_start3A_73 = arith.constant 0 : i32
        %dma_start3A_74 = arith.constant 0 : i32
        %dma_start3A_75 = tpu.memref_slice %arg5[%dma_start3A_73, %dma_start3A_74] : memref<10240x64xf32, #tpu.memory_space<hbm>> -> memref<10240x64xf32, #tpu.memory_space<hbm>>
        tpu.enqueue_indirect_dma source(%dma_start3A_75 : memref<10240x64xf32, #tpu.memory_space<hbm>>) target(%arg10 : memref<128x64xf32, #tpu.memory_space<vmem>>) offsets(%dma_start3A_72 : memref<128xi32, #tpu.memory_space<vmem>>) semaphore(%arg13 : memref<!tpu.dma_semaphore, #tpu.memory_space<semaphore_mem>>)
        %dma_wait3A = arith.constant 0 : i32
        %dma_wait3A_76 = tpu.memref_slice %arg8[%scan3A_70, %dma_wait3A] : memref<158x128xi32, #tpu.memory_space<vmem>> -> memref<1x128xi32, #tpu.memory_space<vmem>>
        %dma_wait3A_77 = tpu.memref_squeeze %dma_wait3A_76 : memref<1x128xi32, #tpu.memory_space<vmem>> -> memref<128xi32, #tpu.memory_space<vmem>>
        %dma_wait3A_78 = arith.constant 0 : i32
        %dma_wait3A_79 = arith.constant 0 : i32
        %dma_wait3A_80 = tpu.memref_slice %arg5[%dma_wait3A_78, %dma_wait3A_79] : memref<10240x64xf32, #tpu.memory_space<hbm>> -> memref<10240x64xf32, #tpu.memory_space<hbm>>
        tpu.wait_indirect_dma semaphore(%arg13 : memref<!tpu.dma_semaphore, #tpu.memory_space<semaphore_mem>>) src(%dma_wait3A_80 : memref<10240x64xf32, #tpu.memory_space<hbm>>) dst(%arg10 : memref<128x64xf32, #tpu.memory_space<vmem>>)
        "tpu.region"() ({
          %run_scoped3A = tpu.sem_alloc : memref<!tpu.dma_semaphore, #tpu.memory_space<semaphore_mem>>
          %dma_start3A_81 = arith.constant 0 : i32
          %dma_start3A_82 = tpu.memref_slice %arg9[%scan3A_70, %dma_start3A_81] : memref<158x128xi32, #tpu.memory_space<vmem>> -> memref<1x128xi32, #tpu.memory_space<vmem>>
          %dma_start3A_83 = tpu.memref_squeeze %dma_start3A_82 : memref<1x128xi32, #tpu.memory_space<vmem>> -> memref<128xi32, #tpu.memory_space<vmem>>
          %dma_start3A_84 = arith.constant 0 : i32
          %dma_start3A_85 = arith.constant 0 : i32
          %dma_start3A_86 = tpu.memref_slice %arg12[%dma_start3A_84, %dma_start3A_85] : memref<10240x64xf32, #tpu.memory_space<vmem_shared>> -> memref<10240x64xf32, #tpu.memory_space<vmem_shared>>
          tpu.enqueue_indirect_dma source(%arg10 : memref<128x64xf32, #tpu.memory_space<vmem>>) target(%dma_start3A_86 : memref<10240x64xf32, #tpu.memory_space<vmem_shared>>) offsets(%dma_start3A_83 : memref<128xi32, #tpu.memory_space<vmem>>) semaphore(%run_scoped3A : memref<!tpu.dma_semaphore, #tpu.memory_space<semaphore_mem>>) {add = true}
          %dma_wait3A_87 = arith.constant 0 : i32
          %dma_wait3A_88 = tpu.memref_slice %arg9[%scan3A_70, %dma_wait3A_87] : memref<158x128xi32, #tpu.memory_space<vmem>> -> memref<1x128xi32, #tpu.memory_space<vmem>>
          %dma_wait3A_89 = tpu.memref_squeeze %dma_wait3A_88 : memref<1x128xi32, #tpu.memory_space<vmem>> -> memref<128xi32, #tpu.memory_space<vmem>>
          %dma_wait3A_90 = arith.constant 0 : i32
          %dma_wait3A_91 = arith.constant 0 : i32
          %dma_wait3A_92 = tpu.memref_slice %arg12[%dma_wait3A_90, %dma_wait3A_91] : memref<10240x64xf32, #tpu.memory_space<vmem_shared>> -> memref<10240x64xf32, #tpu.memory_space<vmem_shared>>
          tpu.wait_indirect_dma semaphore(%run_scoped3A : memref<!tpu.dma_semaphore, #tpu.memory_space<semaphore_mem>>) src(%arg10 : memref<128x64xf32, #tpu.memory_space<vmem>>) dst(%dma_wait3A_92 : memref<10240x64xf32, #tpu.memory_space<vmem_shared>>)
          tpu.yield
        }) : () -> ()
      }
      %scan3A_69 = arith.constant 158 : i32
    } else {
    }
    %barrier3A_24 = arith.constant 0 : index
    tpu.barrier barrier_id(%barrier3A_24)
    %mul3A_25 = arith.constant 640 : i32
    %mul3A_26 = arith.muli %arg1, %mul3A_25 : i32
    %add3A_27 = arith.constant 0 : i32
    %add3A_28 = arith.addi %mul3A_26, %add3A_27 : i32
    "tpu.region"() ({
      %run_scoped3A = tpu.sem_alloc : memref<!tpu.dma_semaphore, #tpu.memory_space<semaphore_mem>>
      %dma_start3A = arith.constant 0 : i32
      %dma_start3A_65 = tpu.memref_slice %arg12[%add3A_28, %dma_start3A] : memref<10240x64xf32, #tpu.memory_space<vmem_shared>> -> memref<128x64xf32, #tpu.memory_space<vmem_shared>>
      %dma_start3A_66 = arith.constant 0 : i32
      %dma_start3A_67 = tpu.memref_slice %arg12[%add3A_28, %dma_start3A_66] : memref<10240x64xf32, #tpu.memory_space<vmem_shared>> -> memref<128x64xf32, #tpu.memory_space<vmem_shared>>
      tpu.enqueue_dma source(%dma_start3A_67 : memref<128x64xf32, #tpu.memory_space<vmem_shared>>) target(%arg11 : memref<128x64xf32, #tpu.memory_space<vmem>>) target_semaphore(%run_scoped3A : memref<!tpu.dma_semaphore, #tpu.memory_space<semaphore_mem>>)
      %dma_wait3A = arith.constant 0 : i32
      %dma_wait3A_68 = tpu.memref_slice %arg12[%add3A_28, %dma_wait3A] : memref<10240x64xf32, #tpu.memory_space<vmem_shared>> -> memref<128x64xf32, #tpu.memory_space<vmem_shared>>
      %dma_wait3A_69 = arith.constant 0 : i32
      %dma_wait3A_70 = tpu.memref_slice %arg12[%add3A_28, %dma_wait3A_69] : memref<10240x64xf32, #tpu.memory_space<vmem_shared>> -> memref<128x64xf32, #tpu.memory_space<vmem_shared>>
      tpu.wait_dma2 semaphore(%run_scoped3A : memref<!tpu.dma_semaphore, #tpu.memory_space<semaphore_mem>>) src(%dma_wait3A_70 : memref<128x64xf32, #tpu.memory_space<vmem_shared>>) dst(%arg11 : memref<128x64xf32, #tpu.memory_space<vmem>>)
      tpu.yield
    }) : () -> ()
    %mul3A_29 = arith.constant 640 : i32
    %mul3A_30 = arith.muli %arg1, %mul3A_29 : i32
    %add3A_31 = arith.constant 0 : i32
    %add3A_32 = arith.addi %mul3A_30, %add3A_31 : i32
    "tpu.region"() ({
      %run_scoped3A = tpu.sem_alloc : memref<!tpu.dma_semaphore, #tpu.memory_space<semaphore_mem>>
      %dma_start3A = arith.constant 0 : i32
      %dma_start3A_65 = tpu.memref_slice %arg7[%arg0, %add3A_32, %dma_start3A] : memref<2x10240x64xf32, #tpu.memory_space<hbm>> -> memref<1x128x64xf32, #tpu.memory_space<hbm>>
      %dma_start3A_66 = tpu.memref_squeeze %dma_start3A_65 : memref<1x128x64xf32, #tpu.memory_space<hbm>> -> memref<128x64xf32, #tpu.memory_space<hbm>>
      %dma_start3A_67 = arith.constant 0 : i32
      %dma_start3A_68 = tpu.memref_slice %arg7[%arg0, %add3A_32, %dma_start3A_67] : memref<2x10240x64xf32, #tpu.memory_space<hbm>> -> memref<1x128x64xf32, #tpu.memory_space<hbm>>
      %dma_start3A_69 = tpu.memref_squeeze %dma_start3A_68 : memref<1x128x64xf32, #tpu.memory_space<hbm>> -> memref<128x64xf32, #tpu.memory_space<hbm>>
      tpu.enqueue_dma source(%arg11 : memref<128x64xf32, #tpu.memory_space<vmem>>) target(%dma_start3A_69 : memref<128x64xf32, #tpu.memory_space<hbm>>) target_semaphore(%run_scoped3A : memref<!tpu.dma_semaphore, #tpu.memory_space<semaphore_mem>>)
      %dma_wait3A = arith.constant 0 : i32
      %dma_wait3A_70 = tpu.memref_slice %arg7[%arg0, %add3A_32, %dma_wait3A] : memref<2x10240x64xf32, #tpu.memory_space<hbm>> -> memref<1x128x64xf32, #tpu.memory_space<hbm>>
      %dma_wait3A_71 = tpu.memref_squeeze %dma_wait3A_70 : memref<1x128x64xf32, #tpu.memory_space<hbm>> -> memref<128x64xf32, #tpu.memory_space<hbm>>
      %dma_wait3A_72 = arith.constant 0 : i32
      %dma_wait3A_73 = tpu.memref_slice %arg7[%arg0, %add3A_32, %dma_wait3A_72] : memref<2x10240x64xf32, #tpu.memory_space<hbm>> -> memref<1x128x64xf32, #tpu.memory_space<hbm>>
      %dma_wait3A_74 = tpu.memref_squeeze %dma_wait3A_73 : memref<1x128x64xf32, #tpu.memory_space<hbm>> -> memref<128x64xf32, #tpu.memory_space<hbm>>
      tpu.wait_dma2 semaphore(%run_scoped3A : memref<!tpu.dma_semaphore, #tpu.memory_space<semaphore_mem>>) src(%arg11 : memref<128x64xf32, #tpu.memory_space<vmem>>) dst(%dma_wait3A_74 : memref<128x64xf32, #tpu.memory_space<hbm>>)
      tpu.yield
    }) : () -> ()
    %mul3A_33 = arith.constant 640 : i32
    %mul3A_34 = arith.muli %arg1, %mul3A_33 : i32
    %add3A_35 = arith.constant 128 : i32
    %add3A_36 = arith.addi %mul3A_34, %add3A_35 : i32
    "tpu.region"() ({
      %run_scoped3A = tpu.sem_alloc : memref<!tpu.dma_semaphore, #tpu.memory_space<semaphore_mem>>
      %dma_start3A = arith.constant 0 : i32
      %dma_start3A_65 = tpu.memref_slice %arg12[%add3A_36, %dma_start3A] : memref<10240x64xf32, #tpu.memory_space<vmem_shared>> -> memref<128x64xf32, #tpu.memory_space<vmem_shared>>
      %dma_start3A_66 = arith.constant 0 : i32
      %dma_start3A_67 = tpu.memref_slice %arg12[%add3A_36, %dma_start3A_66] : memref<10240x64xf32, #tpu.memory_space<vmem_shared>> -> memref<128x64xf32, #tpu.memory_space<vmem_shared>>
      tpu.enqueue_dma source(%dma_start3A_67 : memref<128x64xf32, #tpu.memory_space<vmem_shared>>) target(%arg11 : memref<128x64xf32, #tpu.memory_space<vmem>>) target_semaphore(%run_scoped3A : memref<!tpu.dma_semaphore, #tpu.memory_space<semaphore_mem>>)
      %dma_wait3A = arith.constant 0 : i32
      %dma_wait3A_68 = tpu.memref_slice %arg12[%add3A_36, %dma_wait3A] : memref<10240x64xf32, #tpu.memory_space<vmem_shared>> -> memref<128x64xf32, #tpu.memory_space<vmem_shared>>
      %dma_wait3A_69 = arith.constant 0 : i32
      %dma_wait3A_70 = tpu.memref_slice %arg12[%add3A_36, %dma_wait3A_69] : memref<10240x64xf32, #tpu.memory_space<vmem_shared>> -> memref<128x64xf32, #tpu.memory_space<vmem_shared>>
      tpu.wait_dma2 semaphore(%run_scoped3A : memref<!tpu.dma_semaphore, #tpu.memory_space<semaphore_mem>>) src(%dma_wait3A_70 : memref<128x64xf32, #tpu.memory_space<vmem_shared>>) dst(%arg11 : memref<128x64xf32, #tpu.memory_space<vmem>>)
      tpu.yield
    }) : () -> ()
    %mul3A_37 = arith.constant 640 : i32
    %mul3A_38 = arith.muli %arg1, %mul3A_37 : i32
    %add3A_39 = arith.constant 128 : i32
    %add3A_40 = arith.addi %mul3A_38, %add3A_39 : i32
    "tpu.region"() ({
      %run_scoped3A = tpu.sem_alloc : memref<!tpu.dma_semaphore, #tpu.memory_space<semaphore_mem>>
      %dma_start3A = arith.constant 0 : i32
      %dma_start3A_65 = tpu.memref_slice %arg7[%arg0, %add3A_40, %dma_start3A] : memref<2x10240x64xf32, #tpu.memory_space<hbm>> -> memref<1x128x64xf32, #tpu.memory_space<hbm>>
      %dma_start3A_66 = tpu.memref_squeeze %dma_start3A_65 : memref<1x128x64xf32, #tpu.memory_space<hbm>> -> memref<128x64xf32, #tpu.memory_space<hbm>>
      %dma_start3A_67 = arith.constant 0 : i32
      %dma_start3A_68 = tpu.memref_slice %arg7[%arg0, %add3A_40, %dma_start3A_67] : memref<2x10240x64xf32, #tpu.memory_space<hbm>> -> memref<1x128x64xf32, #tpu.memory_space<hbm>>
      %dma_start3A_69 = tpu.memref_squeeze %dma_start3A_68 : memref<1x128x64xf32, #tpu.memory_space<hbm>> -> memref<128x64xf32, #tpu.memory_space<hbm>>
      tpu.enqueue_dma source(%arg11 : memref<128x64xf32, #tpu.memory_space<vmem>>) target(%dma_start3A_69 : memref<128x64xf32, #tpu.memory_space<hbm>>) target_semaphore(%run_scoped3A : memref<!tpu.dma_semaphore, #tpu.memory_space<semaphore_mem>>)
      %dma_wait3A = arith.constant 0 : i32
      %dma_wait3A_70 = tpu.memref_slice %arg7[%arg0, %add3A_40, %dma_wait3A] : memref<2x10240x64xf32, #tpu.memory_space<hbm>> -> memref<1x128x64xf32, #tpu.memory_space<hbm>>
      %dma_wait3A_71 = tpu.memref_squeeze %dma_wait3A_70 : memref<1x128x64xf32, #tpu.memory_space<hbm>> -> memref<128x64xf32, #tpu.memory_space<hbm>>
      %dma_wait3A_72 = arith.constant 0 : i32
      %dma_wait3A_73 = tpu.memref_slice %arg7[%arg0, %add3A_40, %dma_wait3A_72] : memref<2x10240x64xf32, #tpu.memory_space<hbm>> -> memref<1x128x64xf32, #tpu.memory_space<hbm>>
      %dma_wait3A_74 = tpu.memref_squeeze %dma_wait3A_73 : memref<1x128x64xf32, #tpu.memory_space<hbm>> -> memref<128x64xf32, #tpu.memory_space<hbm>>
      tpu.wait_dma2 semaphore(%run_scoped3A : memref<!tpu.dma_semaphore, #tpu.memory_space<semaphore_mem>>) src(%arg11 : memref<128x64xf32, #tpu.memory_space<vmem>>) dst(%dma_wait3A_74 : memref<128x64xf32, #tpu.memory_space<hbm>>)
      tpu.yield
    }) : () -> ()
    %mul3A_41 = arith.constant 640 : i32
    %mul3A_42 = arith.muli %arg1, %mul3A_41 : i32
    %add3A_43 = arith.constant 256 : i32
    %add3A_44 = arith.addi %mul3A_42, %add3A_43 : i32
    "tpu.region"() ({
      %run_scoped3A = tpu.sem_alloc : memref<!tpu.dma_semaphore, #tpu.memory_space<semaphore_mem>>
      %dma_start3A = arith.constant 0 : i32
      %dma_start3A_65 = tpu.memref_slice %arg12[%add3A_44, %dma_start3A] : memref<10240x64xf32, #tpu.memory_space<vmem_shared>> -> memref<128x64xf32, #tpu.memory_space<vmem_shared>>
      %dma_start3A_66 = arith.constant 0 : i32
      %dma_start3A_67 = tpu.memref_slice %arg12[%add3A_44, %dma_start3A_66] : memref<10240x64xf32, #tpu.memory_space<vmem_shared>> -> memref<128x64xf32, #tpu.memory_space<vmem_shared>>
      tpu.enqueue_dma source(%dma_start3A_67 : memref<128x64xf32, #tpu.memory_space<vmem_shared>>) target(%arg11 : memref<128x64xf32, #tpu.memory_space<vmem>>) target_semaphore(%run_scoped3A : memref<!tpu.dma_semaphore, #tpu.memory_space<semaphore_mem>>)
      %dma_wait3A = arith.constant 0 : i32
      %dma_wait3A_68 = tpu.memref_slice %arg12[%add3A_44, %dma_wait3A] : memref<10240x64xf32, #tpu.memory_space<vmem_shared>> -> memref<128x64xf32, #tpu.memory_space<vmem_shared>>
      %dma_wait3A_69 = arith.constant 0 : i32
      %dma_wait3A_70 = tpu.memref_slice %arg12[%add3A_44, %dma_wait3A_69] : memref<10240x64xf32, #tpu.memory_space<vmem_shared>> -> memref<128x64xf32, #tpu.memory_space<vmem_shared>>
      tpu.wait_dma2 semaphore(%run_scoped3A : memref<!tpu.dma_semaphore, #tpu.memory_space<semaphore_mem>>) src(%dma_wait3A_70 : memref<128x64xf32, #tpu.memory_space<vmem_shared>>) dst(%arg11 : memref<128x64xf32, #tpu.memory_space<vmem>>)
      tpu.yield
    }) : () -> ()
    %mul3A_45 = arith.constant 640 : i32
    %mul3A_46 = arith.muli %arg1, %mul3A_45 : i32
    %add3A_47 = arith.constant 256 : i32
    %add3A_48 = arith.addi %mul3A_46, %add3A_47 : i32
    "tpu.region"() ({
      %run_scoped3A = tpu.sem_alloc : memref<!tpu.dma_semaphore, #tpu.memory_space<semaphore_mem>>
      %dma_start3A = arith.constant 0 : i32
      %dma_start3A_65 = tpu.memref_slice %arg7[%arg0, %add3A_48, %dma_start3A] : memref<2x10240x64xf32, #tpu.memory_space<hbm>> -> memref<1x128x64xf32, #tpu.memory_space<hbm>>
      %dma_start3A_66 = tpu.memref_squeeze %dma_start3A_65 : memref<1x128x64xf32, #tpu.memory_space<hbm>> -> memref<128x64xf32, #tpu.memory_space<hbm>>
      %dma_start3A_67 = arith.constant 0 : i32
      %dma_start3A_68 = tpu.memref_slice %arg7[%arg0, %add3A_48, %dma_start3A_67] : memref<2x10240x64xf32, #tpu.memory_space<hbm>> -> memref<1x128x64xf32, #tpu.memory_space<hbm>>
      %dma_start3A_69 = tpu.memref_squeeze %dma_start3A_68 : memref<1x128x64xf32, #tpu.memory_space<hbm>> -> memref<128x64xf32, #tpu.memory_space<hbm>>
      tpu.enqueue_dma source(%arg11 : memref<128x64xf32, #tpu.memory_space<vmem>>) target(%dma_start3A_69 : memref<128x64xf32, #tpu.memory_space<hbm>>) target_semaphore(%run_scoped3A : memref<!tpu.dma_semaphore, #tpu.memory_space<semaphore_mem>>)
      %dma_wait3A = arith.constant 0 : i32
      %dma_wait3A_70 = tpu.memref_slice %arg7[%arg0, %add3A_48, %dma_wait3A] : memref<2x10240x64xf32, #tpu.memory_space<hbm>> -> memref<1x128x64xf32, #tpu.memory_space<hbm>>
      %dma_wait3A_71 = tpu.memref_squeeze %dma_wait3A_70 : memref<1x128x64xf32, #tpu.memory_space<hbm>> -> memref<128x64xf32, #tpu.memory_space<hbm>>
      %dma_wait3A_72 = arith.constant 0 : i32
      %dma_wait3A_73 = tpu.memref_slice %arg7[%arg0, %add3A_48, %dma_wait3A_72] : memref<2x10240x64xf32, #tpu.memory_space<hbm>> -> memref<1x128x64xf32, #tpu.memory_space<hbm>>
      %dma_wait3A_74 = tpu.memref_squeeze %dma_wait3A_73 : memref<1x128x64xf32, #tpu.memory_space<hbm>> -> memref<128x64xf32, #tpu.memory_space<hbm>>
      tpu.wait_dma2 semaphore(%run_scoped3A : memref<!tpu.dma_semaphore, #tpu.memory_space<semaphore_mem>>) src(%arg11 : memref<128x64xf32, #tpu.memory_space<vmem>>) dst(%dma_wait3A_74 : memref<128x64xf32, #tpu.memory_space<hbm>>)
      tpu.yield
    }) : () -> ()
    %mul3A_49 = arith.constant 640 : i32
    %mul3A_50 = arith.muli %arg1, %mul3A_49 : i32
    %add3A_51 = arith.constant 384 : i32
    %add3A_52 = arith.addi %mul3A_50, %add3A_51 : i32
    "tpu.region"() ({
      %run_scoped3A = tpu.sem_alloc : memref<!tpu.dma_semaphore, #tpu.memory_space<semaphore_mem>>
      %dma_start3A = arith.constant 0 : i32
      %dma_start3A_65 = tpu.memref_slice %arg12[%add3A_52, %dma_start3A] : memref<10240x64xf32, #tpu.memory_space<vmem_shared>> -> memref<128x64xf32, #tpu.memory_space<vmem_shared>>
      %dma_start3A_66 = arith.constant 0 : i32
      %dma_start3A_67 = tpu.memref_slice %arg12[%add3A_52, %dma_start3A_66] : memref<10240x64xf32, #tpu.memory_space<vmem_shared>> -> memref<128x64xf32, #tpu.memory_space<vmem_shared>>
      tpu.enqueue_dma source(%dma_start3A_67 : memref<128x64xf32, #tpu.memory_space<vmem_shared>>) target(%arg11 : memref<128x64xf32, #tpu.memory_space<vmem>>) target_semaphore(%run_scoped3A : memref<!tpu.dma_semaphore, #tpu.memory_space<semaphore_mem>>)
      %dma_wait3A = arith.constant 0 : i32
      %dma_wait3A_68 = tpu.memref_slice %arg12[%add3A_52, %dma_wait3A] : memref<10240x64xf32, #tpu.memory_space<vmem_shared>> -> memref<128x64xf32, #tpu.memory_space<vmem_shared>>
      %dma_wait3A_69 = arith.constant 0 : i32
      %dma_wait3A_70 = tpu.memref_slice %arg12[%add3A_52, %dma_wait3A_69] : memref<10240x64xf32, #tpu.memory_space<vmem_shared>> -> memref<128x64xf32, #tpu.memory_space<vmem_shared>>
      tpu.wait_dma2 semaphore(%run_scoped3A : memref<!tpu.dma_semaphore, #tpu.memory_space<semaphore_mem>>) src(%dma_wait3A_70 : memref<128x64xf32, #tpu.memory_space<vmem_shared>>) dst(%arg11 : memref<128x64xf32, #tpu.memory_space<vmem>>)
      tpu.yield
    }) : () -> ()
    %mul3A_53 = arith.constant 640 : i32
    %mul3A_54 = arith.muli %arg1, %mul3A_53 : i32
    %add3A_55 = arith.constant 384 : i32
    %add3A_56 = arith.addi %mul3A_54, %add3A_55 : i32
    "tpu.region"() ({
      %run_scoped3A = tpu.sem_alloc : memref<!tpu.dma_semaphore, #tpu.memory_space<semaphore_mem>>
      %dma_start3A = arith.constant 0 : i32
      %dma_start3A_65 = tpu.memref_slice %arg7[%arg0, %add3A_56, %dma_start3A] : memref<2x10240x64xf32, #tpu.memory_space<hbm>> -> memref<1x128x64xf32, #tpu.memory_space<hbm>>
      %dma_start3A_66 = tpu.memref_squeeze %dma_start3A_65 : memref<1x128x64xf32, #tpu.memory_space<hbm>> -> memref<128x64xf32, #tpu.memory_space<hbm>>
      %dma_start3A_67 = arith.constant 0 : i32
      %dma_start3A_68 = tpu.memref_slice %arg7[%arg0, %add3A_56, %dma_start3A_67] : memref<2x10240x64xf32, #tpu.memory_space<hbm>> -> memref<1x128x64xf32, #tpu.memory_space<hbm>>
      %dma_start3A_69 = tpu.memref_squeeze %dma_start3A_68 : memref<1x128x64xf32, #tpu.memory_space<hbm>> -> memref<128x64xf32, #tpu.memory_space<hbm>>
      tpu.enqueue_dma source(%arg11 : memref<128x64xf32, #tpu.memory_space<vmem>>) target(%dma_start3A_69 : memref<128x64xf32, #tpu.memory_space<hbm>>) target_semaphore(%run_scoped3A : memref<!tpu.dma_semaphore, #tpu.memory_space<semaphore_mem>>)
      %dma_wait3A = arith.constant 0 : i32
      %dma_wait3A_70 = tpu.memref_slice %arg7[%arg0, %add3A_56, %dma_wait3A] : memref<2x10240x64xf32, #tpu.memory_space<hbm>> -> memref<1x128x64xf32, #tpu.memory_space<hbm>>
      %dma_wait3A_71 = tpu.memref_squeeze %dma_wait3A_70 : memref<1x128x64xf32, #tpu.memory_space<hbm>> -> memref<128x64xf32, #tpu.memory_space<hbm>>
      %dma_wait3A_72 = arith.constant 0 : i32
      %dma_wait3A_73 = tpu.memref_slice %arg7[%arg0, %add3A_56, %dma_wait3A_72] : memref<2x10240x64xf32, #tpu.memory_space<hbm>> -> memref<1x128x64xf32, #tpu.memory_space<hbm>>
      %dma_wait3A_74 = tpu.memref_squeeze %dma_wait3A_73 : memref<1x128x64xf32, #tpu.memory_space<hbm>> -> memref<128x64xf32, #tpu.memory_space<hbm>>
      tpu.wait_dma2 semaphore(%run_scoped3A : memref<!tpu.dma_semaphore, #tpu.memory_space<semaphore_mem>>) src(%arg11 : memref<128x64xf32, #tpu.memory_space<vmem>>) dst(%dma_wait3A_74 : memref<128x64xf32, #tpu.memory_space<hbm>>)
      tpu.yield
    }) : () -> ()
    %mul3A_57 = arith.constant 640 : i32
    %mul3A_58 = arith.muli %arg1, %mul3A_57 : i32
    %add3A_59 = arith.constant 512 : i32
    %add3A_60 = arith.addi %mul3A_58, %add3A_59 : i32
    "tpu.region"() ({
      %run_scoped3A = tpu.sem_alloc : memref<!tpu.dma_semaphore, #tpu.memory_space<semaphore_mem>>
      %dma_start3A = arith.constant 0 : i32
      %dma_start3A_65 = tpu.memref_slice %arg12[%add3A_60, %dma_start3A] : memref<10240x64xf32, #tpu.memory_space<vmem_shared>> -> memref<128x64xf32, #tpu.memory_space<vmem_shared>>
      %dma_start3A_66 = arith.constant 0 : i32
      %dma_start3A_67 = tpu.memref_slice %arg12[%add3A_60, %dma_start3A_66] : memref<10240x64xf32, #tpu.memory_space<vmem_shared>> -> memref<128x64xf32, #tpu.memory_space<vmem_shared>>
      tpu.enqueue_dma source(%dma_start3A_67 : memref<128x64xf32, #tpu.memory_space<vmem_shared>>) target(%arg11 : memref<128x64xf32, #tpu.memory_space<vmem>>) target_semaphore(%run_scoped3A : memref<!tpu.dma_semaphore, #tpu.memory_space<semaphore_mem>>)
      %dma_wait3A = arith.constant 0 : i32
      %dma_wait3A_68 = tpu.memref_slice %arg12[%add3A_60, %dma_wait3A] : memref<10240x64xf32, #tpu.memory_space<vmem_shared>> -> memref<128x64xf32, #tpu.memory_space<vmem_shared>>
      %dma_wait3A_69 = arith.constant 0 : i32
      %dma_wait3A_70 = tpu.memref_slice %arg12[%add3A_60, %dma_wait3A_69] : memref<10240x64xf32, #tpu.memory_space<vmem_shared>> -> memref<128x64xf32, #tpu.memory_space<vmem_shared>>
      tpu.wait_dma2 semaphore(%run_scoped3A : memref<!tpu.dma_semaphore, #tpu.memory_space<semaphore_mem>>) src(%dma_wait3A_70 : memref<128x64xf32, #tpu.memory_space<vmem_shared>>) dst(%arg11 : memref<128x64xf32, #tpu.memory_space<vmem>>)
      tpu.yield
    }) : () -> ()
    %mul3A_61 = arith.constant 640 : i32
    %mul3A_62 = arith.muli %arg1, %mul3A_61 : i32
    %add3A_63 = arith.constant 512 : i32
    %add3A_64 = arith.addi %mul3A_62, %add3A_63 : i32
    "tpu.region"() ({
      %run_scoped3A = tpu.sem_alloc : memref<!tpu.dma_semaphore, #tpu.memory_space<semaphore_mem>>
      %dma_start3A = arith.constant 0 : i32
      %dma_start3A_65 = tpu.memref_slice %arg7[%arg0, %add3A_64, %dma_start3A] : memref<2x10240x64xf32, #tpu.memory_space<hbm>> -> memref<1x128x64xf32, #tpu.memory_space<hbm>>
      %dma_start3A_66 = tpu.memref_squeeze %dma_start3A_65 : memref<1x128x64xf32, #tpu.memory_space<hbm>> -> memref<128x64xf32, #tpu.memory_space<hbm>>
      %dma_start3A_67 = arith.constant 0 : i32
      %dma_start3A_68 = tpu.memref_slice %arg7[%arg0, %add3A_64, %dma_start3A_67] : memref<2x10240x64xf32, #tpu.memory_space<hbm>> -> memref<1x128x64xf32, #tpu.memory_space<hbm>>
      %dma_start3A_69 = tpu.memref_squeeze %dma_start3A_68 : memref<1x128x64xf32, #tpu.memory_space<hbm>> -> memref<128x64xf32, #tpu.memory_space<hbm>>
      tpu.enqueue_dma source(%arg11 : memref<128x64xf32, #tpu.memory_space<vmem>>) target(%dma_start3A_69 : memref<128x64xf32, #tpu.memory_space<hbm>>) target_semaphore(%run_scoped3A : memref<!tpu.dma_semaphore, #tpu.memory_space<semaphore_mem>>)
      %dma_wait3A = arith.constant 0 : i32
      %dma_wait3A_70 = tpu.memref_slice %arg7[%arg0, %add3A_64, %dma_wait3A] : memref<2x10240x64xf32, #tpu.memory_space<hbm>> -> memref<1x128x64xf32, #tpu.memory_space<hbm>>
      %dma_wait3A_71 = tpu.memref_squeeze %dma_wait3A_70 : memref<1x128x64xf32, #tpu.memory_space<hbm>> -> memref<128x64xf32, #tpu.memory_space<hbm>>
      %dma_wait3A_72 = arith.constant 0 : i32
      %dma_wait3A_73 = tpu.memref_slice %arg7[%arg0, %add3A_64, %dma_wait3A_72] : memref<2x10240x64xf32, #tpu.memory_space<hbm>> -> memref<1x128x64xf32, #tpu.memory_space<hbm>>
      %dma_wait3A_74 = tpu.memref_squeeze %dma_wait3A_73 : memref<1x128x64xf32, #tpu.memory_space<hbm>> -> memref<128x64xf32, #tpu.memory_space<hbm>>
      tpu.wait_dma2 semaphore(%run_scoped3A : memref<!tpu.dma_semaphore, #tpu.memory_space<semaphore_mem>>) src(%arg11 : memref<128x64xf32, #tpu.memory_space<vmem>>) dst(%dma_wait3A_74 : memref<128x64xf32, #tpu.memory_space<hbm>>)
      tpu.yield
    }) : () -> ()
    return
  }
}

module attributes {stable_mosaic.version = 14 : i64} {
  func.func @body(%arg0: i32, %arg1: memref<1024x128xf32, #tpu.memory_space<vmem>>, %arg2: memref<128x128xf32, #tpu.memory_space<vmem>>, %arg3: memref<1x128xf32, #tpu.memory_space<vmem>>, %arg4: memref<32x1024xf32, #tpu.memory_space<vmem>>, %arg5: memref<1024x64xf32, #tpu.memory_space<vmem>>, %arg6: memref<1024x64xf32, #tpu.memory_space<vmem>>, %arg7: memref<1024x1xf32, #tpu.memory_space<vmem>>) attributes {dimension_semantics = [#tpu.dimension_semantics<arbitrary>], iteration_bounds = array<i64: 10>, scalar_prefetch = 0 : i64, scratch_operands = 0 : i64, tpu.core_type = #tpu.core_type<tc>, window_params = [{transform_indices = @transform_0, window_bounds = array<i64: 1024, 128>}, {pipeline_mode = #tpu.pipeline_mode<synchronous>, transform_indices = @transform_1, window_bounds = array<i64: 128, 128>}, {pipeline_mode = #tpu.pipeline_mode<synchronous>, transform_indices = @transform_2, window_bounds = array<i64: 1, 128>}, {transform_indices = @transform_3, window_bounds = array<i64: 32, 1024>}, {transform_indices = @transform_4, window_bounds = array<i64: 1024, 64>}, {transform_indices = @transform_5, window_bounds = array<i64: 1024, 64>}, {transform_indices = @transform_6, window_bounds = array<i64: 1024, 1>}]} {
    %get3A = arith.constant 0 : index
    %get3A_0 = arith.constant 0 : index
    %get3A_1 = vector.load %arg4[%get3A, %get3A_0] : memref<32x1024xf32, #tpu.memory_space<vmem>>, vector<32x1024xf32>
    %reduce_sum3A = arith.constant dense<0.000000e+00> : vector<1024xf32>
    %reduce_sum3A_2 = vector.multi_reduction <add>, %get3A_1, %reduce_sum3A [0] : vector<32x1024xf32> to vector<1024xf32>
    %add3A = arith.constant 1.000000e+00 : f32
    %add3A_3 = vector.broadcast %add3A : f32 to vector<1024xf32>
    %add3A_4 = arith.addf %reduce_sum3A_2, %add3A_3 : vector<1024xf32>
    %rsqrt3A = math.rsqrt %add3A_4 : vector<1024xf32>
    %broadcast_in_dim3A = vector.shape_cast %rsqrt3A : vector<1024xf32> to vector<1024x1xf32>
    %get3A_5 = arith.constant 0 : index
    %get3A_6 = arith.constant 0 : index
    %get3A_7 = vector.load %arg1[%get3A_5, %get3A_6] : memref<1024x128xf32, #tpu.memory_space<vmem>>, vector<1024x128xf32>
    %get3A_8 = arith.constant 0 : index
    %get3A_9 = arith.constant 0 : index
    %get3A_10 = vector.load %arg2[%get3A_8, %get3A_9] : memref<128x128xf32, #tpu.memory_space<vmem>>, vector<128x128xf32>
    %dot_general3A = arith.constant dense<0.000000e+00> : vector<1024x128xf32>
    %dot_general3A_11 = tpu.matmul %get3A_7, %get3A_10, %dot_general3A {dimension_numbers = #tpu.dot_dimension_numbers<[1], [0], [0], [1], [0, 0, 1, 1], [], []>, transpose_lhs_hint = false} : vector<1024x128xf32>, vector<128x128xf32>, vector<1024x128xf32> -> vector<1024x128xf32>
    %get3A_12 = arith.constant 0 : index
    %get3A_13 = arith.constant 0 : index
    %get3A_14 = vector.load %arg3[%get3A_12, %get3A_13] : memref<1x128xf32, #tpu.memory_space<vmem>>, vector<1x128xf32>
    %mul3A = vector.broadcast %get3A_14 : vector<1x128xf32> to vector<1024x128xf32>
    %mul3A_15 = arith.mulf %dot_general3A_11, %mul3A : vector<1024x128xf32>
    %mul3A_16 = vector.broadcast %broadcast_in_dim3A : vector<1024x1xf32> to vector<1024x128xf32>
    %mul3A_17 = arith.mulf %mul3A_15, %mul3A_16 : vector<1024x128xf32>
    %slice3A = vector.extract_strided_slice %mul3A_17 {offsets = [0, 0], sizes = [1024, 64], strides = [1, 1]} : vector<1024x128xf32> to vector<1024x64xf32>
    %swap3A = arith.constant 0 : index
    %swap3A_18 = arith.constant 0 : index
    %swap3A_19 = vector.load %arg5[%swap3A, %swap3A_18] : memref<1024x64xf32, #tpu.memory_space<vmem>>, vector<1024x64xf32>
    tpu.vector_store %arg5[%swap3A, %swap3A_18], %slice3A {strides = array<i32>} : memref<1024x64xf32, #tpu.memory_space<vmem>>, vector<1024x64xf32>,
    %slice3A_20 = vector.extract_strided_slice %mul3A_17 {offsets = [0, 64], sizes = [1024, 64], strides = [1, 1]} : vector<1024x128xf32> to vector<1024x64xf32>
    %swap3A_21 = arith.constant 0 : index
    %swap3A_22 = arith.constant 0 : index
    %swap3A_23 = vector.load %arg6[%swap3A_21, %swap3A_22] : memref<1024x64xf32, #tpu.memory_space<vmem>>, vector<1024x64xf32>
    tpu.vector_store %arg6[%swap3A_21, %swap3A_22], %slice3A_20 {strides = array<i32>} : memref<1024x64xf32, #tpu.memory_space<vmem>>, vector<1024x64xf32>,
    %swap3A_24 = arith.constant 0 : index
    %swap3A_25 = arith.constant 0 : index
    %swap3A_26 = vector.load %arg7[%swap3A_24, %swap3A_25] : memref<1024x1xf32, #tpu.memory_space<vmem>>, vector<1024x1xf32>
    tpu.vector_store %arg7[%swap3A_24, %swap3A_25], %broadcast_in_dim3A {strides = array<i32>} : memref<1024x1xf32, #tpu.memory_space<vmem>>, vector<1024x1xf32>,
    return
  }
  func.func @transform_0(%arg0: i32) -> (i32, i32) {
    %c0_i32 = arith.constant 0 : i32
    %c0_i32_0 = arith.constant 0 : i32
    return %arg0, %c0_i32 : i32, i32
  }
  func.func @transform_1(%arg0: i32) -> (i32, i32) {
    %c0_i32 = arith.constant 0 : i32
    %c0_i32_0 = arith.constant 0 : i32
    %c0_i32_1 = arith.constant 0 : i32
    return %c0_i32, %c0_i32_0 : i32, i32
  }
  func.func @transform_2(%arg0: i32) -> (i32, i32) {
    %c0_i32 = arith.constant 0 : i32
    %c0_i32_0 = arith.constant 0 : i32
    %c0_i32_1 = arith.constant 0 : i32
    return %c0_i32, %c0_i32_0 : i32, i32
  }
  func.func @transform_3(%arg0: i32) -> (i32, i32) {
    %c0_i32 = arith.constant 0 : i32
    %c0_i32_0 = arith.constant 0 : i32
    return %c0_i32, %arg0 : i32, i32
  }
  func.func @transform_4(%arg0: i32) -> (i32, i32) {
    %c0_i32 = arith.constant 0 : i32
    %c0_i32_0 = arith.constant 0 : i32
    return %arg0, %c0_i32 : i32, i32
  }
  func.func @transform_5(%arg0: i32) -> (i32, i32) {
    %c0_i32 = arith.constant 0 : i32
    %c0_i32_0 = arith.constant 0 : i32
    return %arg0, %c0_i32 : i32, i32
  }
  func.func @transform_6(%arg0: i32) -> (i32, i32) {
    %c0_i32 = arith.constant 0 : i32
    %c0_i32_0 = arith.constant 0 : i32
    return %arg0, %c0_i32 : i32, i32
  }
}

module attributes {stable_mosaic.version = 14 : i64} {
  func.func @body(%arg0: i32, %arg1: memref<1024x64xf32, #tpu.memory_space<vmem>>, %arg2: memref<1024x64xf32, #tpu.memory_space<vmem>>, %arg3: memref<1024x64xf32, #tpu.memory_space<vmem>>, %arg4: memref<1024x64xf32, #tpu.memory_space<vmem>>, %arg5: memref<1024x1xf32, #tpu.memory_space<vmem>>, %arg6: memref<1x128xf32, #tpu.memory_space<vmem>>, %arg7: memref<128x64xf32, #tpu.memory_space<vmem>>, %arg8: memref<1x64xf32, #tpu.memory_space<vmem>>, %arg9: memref<1024x64xf32, #tpu.memory_space<vmem>>) attributes {dimension_semantics = [#tpu.dimension_semantics<arbitrary>], iteration_bounds = array<i64: 10>, scalar_prefetch = 0 : i64, scratch_operands = 0 : i64, tpu.core_type = #tpu.core_type<tc>, window_params = [{transform_indices = @transform_0, window_bounds = array<i64: 1024, 64>}, {transform_indices = @transform_1, window_bounds = array<i64: 1024, 64>}, {transform_indices = @transform_2, window_bounds = array<i64: 1024, 64>}, {transform_indices = @transform_3, window_bounds = array<i64: 1024, 64>}, {transform_indices = @transform_4, window_bounds = array<i64: 1024, 1>}, {pipeline_mode = #tpu.pipeline_mode<synchronous>, transform_indices = @transform_5, window_bounds = array<i64: 1, 128>}, {pipeline_mode = #tpu.pipeline_mode<synchronous>, transform_indices = @transform_6, window_bounds = array<i64: 128, 64>}, {pipeline_mode = #tpu.pipeline_mode<synchronous>, transform_indices = @transform_7, window_bounds = array<i64: 1, 64>}, {transform_indices = @transform_8, window_bounds = array<i64: 1024, 64>}]} {
    %get3A = arith.constant 0 : index
    %get3A_0 = arith.constant 0 : index
    %get3A_1 = vector.load %arg5[%get3A, %get3A_0] : memref<1024x1xf32, #tpu.memory_space<vmem>>, vector<1024x1xf32>
    %get3A_2 = arith.constant 0 : index
    %get3A_3 = arith.constant 0 : index
    %get3A_4 = vector.load %arg1[%get3A_2, %get3A_3] : memref<1024x64xf32, #tpu.memory_space<vmem>>, vector<1024x64xf32>
    %get3A_5 = arith.constant 0 : index
    %get3A_6 = arith.constant 0 : index
    %get3A_7 = vector.load %arg3[%get3A_5, %get3A_6] : memref<1024x64xf32, #tpu.memory_space<vmem>>, vector<1024x64xf32>
    %add3A = arith.addf %get3A_4, %get3A_7 : vector<1024x64xf32>
    %mul3A = vector.broadcast %get3A_1 : vector<1024x1xf32> to vector<1024x64xf32>
    %mul3A_8 = arith.mulf %add3A, %mul3A : vector<1024x64xf32>
    %get3A_9 = arith.constant 0 : index
    %get3A_10 = arith.constant 0 : index
    %get3A_11 = vector.load %arg6[%get3A_9, %get3A_10] : memref<1x128xf32, #tpu.memory_space<vmem>>, vector<1x64xf32>
    %add3A_12 = vector.broadcast %get3A_11 : vector<1x64xf32> to vector<1024x64xf32>
    %add3A_13 = arith.addf %mul3A_8, %add3A_12 : vector<1024x64xf32>
    %get3A_14 = arith.constant 0 : index
    %get3A_15 = arith.constant 0 : index
    %get3A_16 = vector.load %arg2[%get3A_14, %get3A_15] : memref<1024x64xf32, #tpu.memory_space<vmem>>, vector<1024x64xf32>
    %get3A_17 = arith.constant 0 : index
    %get3A_18 = arith.constant 0 : index
    %get3A_19 = vector.load %arg4[%get3A_17, %get3A_18] : memref<1024x64xf32, #tpu.memory_space<vmem>>, vector<1024x64xf32>
    %add3A_20 = arith.addf %get3A_16, %get3A_19 : vector<1024x64xf32>
    %mul3A_21 = vector.broadcast %get3A_1 : vector<1024x1xf32> to vector<1024x64xf32>
    %mul3A_22 = arith.mulf %add3A_20, %mul3A_21 : vector<1024x64xf32>
    %get3A_23 = arith.constant 0 : index
    %get3A_24 = arith.constant 64 : index
    %get3A_25 = vector.load %arg6[%get3A_23, %get3A_24] : memref<1x128xf32, #tpu.memory_space<vmem>>, vector<1x64xf32>
    %add3A_26 = vector.broadcast %get3A_25 : vector<1x64xf32> to vector<1024x64xf32>
    %add3A_27 = arith.addf %mul3A_22, %add3A_26 : vector<1024x64xf32>
    %concatenate3A = tpu.concatenate %add3A_13, %add3A_27 in 1 : vector<1024x64xf32>, vector<1024x64xf32> -> vector<1024x128xf32>
    %max3A = arith.constant 0.000000e+00 : f32
    %max3A_28 = vector.broadcast %max3A : f32 to vector<1024x128xf32>
    %max3A_29 = arith.maximumf %concatenate3A, %max3A_28 : vector<1024x128xf32>
    %mul3A_30 = arith.constant 1024 : i32
    %mul3A_31 = arith.muli %arg0, %mul3A_30 : i32
    %iota3A = tpu.iota {dimensions = array<i32: 0>} : vector<1024x128xi32>
    %add3A_32 = vector.broadcast %mul3A_31 : i32 to vector<1024x128xi32>
    %add3A_33 = arith.addi %add3A_32, %iota3A : vector<1024x128xi32>
    %lt3A = arith.constant 10000 : i32
    %lt3A_34 = vector.broadcast %lt3A : i32 to vector<1024x128xi32>
    %lt3A_35 = arith.cmpi slt, %add3A_33, %lt3A_34 : vector<1024x128xi32>
    %jit3A = arith.constant 0.000000e+00 : f32
    %broadcast_in_dim3A = vector.broadcast %jit3A : f32 to vector<1024x128xf32>
    %select_n3A = arith.select %lt3A_35, %max3A_29, %broadcast_in_dim3A : vector<1024x128xi1>, vector<1024x128xf32>
    %get3A_36 = arith.constant 0 : index
    %get3A_37 = arith.constant 0 : index
    %get3A_38 = vector.load %arg7[%get3A_36, %get3A_37] : memref<128x64xf32, #tpu.memory_space<vmem>>, vector<128x64xf32>
    %dot_general3A = arith.constant dense<0.000000e+00> : vector<1024x64xf32>
    %dot_general3A_39 = tpu.matmul %select_n3A, %get3A_38, %dot_general3A {dimension_numbers = #tpu.dot_dimension_numbers<[1], [0], [0], [1], [0, 0, 1, 1], [], []>, transpose_lhs_hint = false} : vector<1024x128xf32>, vector<128x64xf32>, vector<1024x64xf32> -> vector<1024x64xf32>
    %get3A_40 = arith.constant 0 : index
    %get3A_41 = arith.constant 0 : index
    %get3A_42 = vector.load %arg8[%get3A_40, %get3A_41] : memref<1x64xf32, #tpu.memory_space<vmem>>, vector<1x64xf32>
    %mul3A_43 = vector.broadcast %get3A_42 : vector<1x64xf32> to vector<1024x64xf32>
    %mul3A_44 = arith.mulf %dot_general3A_39, %mul3A_43 : vector<1024x64xf32>
    %mul3A_45 = vector.broadcast %get3A_1 : vector<1024x1xf32> to vector<1024x64xf32>
    %mul3A_46 = arith.mulf %mul3A_44, %mul3A_45 : vector<1024x64xf32>
    %swap3A = arith.constant 0 : index
    %swap3A_47 = arith.constant 0 : index
    %swap3A_48 = vector.load %arg9[%swap3A, %swap3A_47] : memref<1024x64xf32, #tpu.memory_space<vmem>>, vector<1024x64xf32>
    tpu.vector_store %arg9[%swap3A, %swap3A_47], %mul3A_46 {strides = array<i32>} : memref<1024x64xf32, #tpu.memory_space<vmem>>, vector<1024x64xf32>,
    return
  }
  func.func @transform_0(%arg0: i32) -> (i32, i32) {
    %c0_i32 = arith.constant 0 : i32
    %c0_i32_0 = arith.constant 0 : i32
    return %arg0, %c0_i32 : i32, i32
  }
  func.func @transform_1(%arg0: i32) -> (i32, i32) {
    %c0_i32 = arith.constant 0 : i32
    %c0_i32_0 = arith.constant 0 : i32
    return %arg0, %c0_i32 : i32, i32
  }
  func.func @transform_2(%arg0: i32) -> (i32, i32) {
    %c0_i32 = arith.constant 0 : i32
    %c0_i32_0 = arith.constant 0 : i32
    return %arg0, %c0_i32 : i32, i32
  }
  func.func @transform_3(%arg0: i32) -> (i32, i32) {
    %c0_i32 = arith.constant 0 : i32
    %c0_i32_0 = arith.constant 0 : i32
    return %arg0, %c0_i32 : i32, i32
  }
  func.func @transform_4(%arg0: i32) -> (i32, i32) {
    %c0_i32 = arith.constant 0 : i32
    %c0_i32_0 = arith.constant 0 : i32
    return %arg0, %c0_i32 : i32, i32
  }
  func.func @transform_5(%arg0: i32) -> (i32, i32) {
    %c0_i32 = arith.constant 0 : i32
    %c0_i32_0 = arith.constant 0 : i32
    %c0_i32_1 = arith.constant 0 : i32
    return %c0_i32, %c0_i32_0 : i32, i32
  }
  func.func @transform_6(%arg0: i32) -> (i32, i32) {
    %c0_i32 = arith.constant 0 : i32
    %c0_i32_0 = arith.constant 0 : i32
    %c0_i32_1 = arith.constant 0 : i32
    return %c0_i32, %c0_i32_0 : i32, i32
  }
  func.func @transform_7(%arg0: i32) -> (i32, i32) {
    %c0_i32 = arith.constant 0 : i32
    %c0_i32_0 = arith.constant 0 : i32
    %c0_i32_1 = arith.constant 0 : i32
    return %c0_i32, %c0_i32_0 : i32, i32
  }
  func.func @transform_8(%arg0: i32) -> (i32, i32) {
    %c0_i32 = arith.constant 0 : i32
    %c0_i32_0 = arith.constant 0 : i32
    return %arg0, %c0_i32 : i32, i32
  }
}

module attributes {stable_mosaic.version = 14 : i64} {
  func.func @body(%arg0: i32, %arg1: memref<1000x64xf32, #tpu.memory_space<vmem>>, %arg2: memref<1000x64xf32, #tpu.memory_space<vmem>>, %arg3: memref<1000x64xf32, #tpu.memory_space<vmem>>, %arg4: memref<1000x1xf32, #tpu.memory_space<vmem>>, %arg5: memref<1x64xf32, #tpu.memory_space<vmem>>, %arg6: memref<1000x64xf32, #tpu.memory_space<vmem>>) attributes {dimension_semantics = [#tpu.dimension_semantics<arbitrary>], iteration_bounds = array<i64: 10>, scalar_prefetch = 0 : i64, scratch_operands = 0 : i64, tpu.core_type = #tpu.core_type<tc>, window_params = [{transform_indices = @transform_0, window_bounds = array<i64: 1000, 64>}, {transform_indices = @transform_1, window_bounds = array<i64: 1000, 64>}, {transform_indices = @transform_2, window_bounds = array<i64: 1000, 64>}, {transform_indices = @transform_3, window_bounds = array<i64: 1000, 1>}, {pipeline_mode = #tpu.pipeline_mode<synchronous>, transform_indices = @transform_4, window_bounds = array<i64: 1, 64>}, {transform_indices = @transform_5, window_bounds = array<i64: 1000, 64>}]} {
    %get3A = arith.constant 0 : index
    %get3A_0 = arith.constant 0 : index
    %get3A_1 = vector.load %arg1[%get3A, %get3A_0] : memref<1000x64xf32, #tpu.memory_space<vmem>>, vector<1000x64xf32>
    %get3A_2 = arith.constant 0 : index
    %get3A_3 = arith.constant 0 : index
    %get3A_4 = vector.load %arg2[%get3A_2, %get3A_3] : memref<1000x64xf32, #tpu.memory_space<vmem>>, vector<1000x64xf32>
    %add3A = arith.addf %get3A_1, %get3A_4 : vector<1000x64xf32>
    %get3A_5 = arith.constant 0 : index
    %get3A_6 = arith.constant 0 : index
    %get3A_7 = vector.load %arg3[%get3A_5, %get3A_6] : memref<1000x64xf32, #tpu.memory_space<vmem>>, vector<1000x64xf32>
    %add3A_8 = arith.addf %add3A, %get3A_7 : vector<1000x64xf32>
    %get3A_9 = arith.constant 0 : index
    %get3A_10 = arith.constant 0 : index
    %get3A_11 = vector.load %arg4[%get3A_9, %get3A_10] : memref<1000x1xf32, #tpu.memory_space<vmem>>, vector<1000x1xf32>
    %mul3A = vector.broadcast %get3A_11 : vector<1000x1xf32> to vector<1000x64xf32>
    %mul3A_12 = arith.mulf %add3A_8, %mul3A : vector<1000x64xf32>
    %get3A_13 = arith.constant 0 : index
    %get3A_14 = arith.constant 0 : index
    %get3A_15 = vector.load %arg5[%get3A_13, %get3A_14] : memref<1x64xf32, #tpu.memory_space<vmem>>, vector<1x64xf32>
    %add3A_16 = vector.broadcast %get3A_15 : vector<1x64xf32> to vector<1000x64xf32>
    %add3A_17 = arith.addf %mul3A_12, %add3A_16 : vector<1000x64xf32>
    %swap3A = arith.constant 0 : index
    %swap3A_18 = arith.constant 0 : index
    %swap3A_19 = vector.load %arg6[%swap3A, %swap3A_18] : memref<1000x64xf32, #tpu.memory_space<vmem>>, vector<1000x64xf32>
    tpu.vector_store %arg6[%swap3A, %swap3A_18], %add3A_17 {strides = array<i32>} : memref<1000x64xf32, #tpu.memory_space<vmem>>, vector<1000x64xf32>,
    return
  }
  func.func @transform_0(%arg0: i32) -> (i32, i32) {
    %c0_i32 = arith.constant 0 : i32
    %c0_i32_0 = arith.constant 0 : i32
    return %arg0, %c0_i32 : i32, i32
  }
  func.func @transform_1(%arg0: i32) -> (i32, i32) {
    %c0_i32 = arith.constant 0 : i32
    %c0_i32_0 = arith.constant 0 : i32
    return %arg0, %c0_i32 : i32, i32
  }
  func.func @transform_2(%arg0: i32) -> (i32, i32) {
    %c0_i32 = arith.constant 0 : i32
    %c0_i32_0 = arith.constant 0 : i32
    return %arg0, %c0_i32 : i32, i32
  }
  func.func @transform_3(%arg0: i32) -> (i32, i32) {
    %c0_i32 = arith.constant 0 : i32
    %c0_i32_0 = arith.constant 0 : i32
    return %arg0, %c0_i32 : i32, i32
  }
  func.func @transform_4(%arg0: i32) -> (i32, i32) {
    %c0_i32 = arith.constant 0 : i32
    %c0_i32_0 = arith.constant 0 : i32
    %c0_i32_1 = arith.constant 0 : i32
    return %c0_i32, %c0_i32_0 : i32, i32
  }
  func.func @transform_5(%arg0: i32) -> (i32, i32) {
    %c0_i32 = arith.constant 0 : i32
    %c0_i32_0 = arith.constant 0 : i32
    return %arg0, %c0_i32 : i32, i32
  }
}

</mosaic_0001>

<sc_bundles>
// kernel: kernel.11.cloned.1.call-start
scs
__scs_entry_jumppad:
0x0: {  	(pc) =	sbr.rel $0x88, $3  }
0x1: {  	(tag) =	ssettag $0x0;
	lr =	simm.s32 $0x1  }
0x2: {  	[smem:$0x3F93] =	sst lr;
	_ =	strace $0xD0000000  }
0x3: {  	_ = 	snop  }
0x4: {  	_ = 	snop  }
0x5: {  	_ = 	snop  }
0x6: {  	_ = 	snop  }
0x7: {  	_ = 	snop  }
__scs_overlays_trampoline_lowered:
0x8: {  	[smem:$0x3FA2] =	sst s0  }
0x9: {  	[smem:$0x3FA3] =	sst s1  }
0xa: {  	[smem:$0x3FA4] =	sst s2  }
0xb: {  	[smem:$0x3FA5] =	sst s3  }
0xc: {  	[smem:$0x3FA6] =	sst s4  }
0xd: {  	[smem:$0x3FA7] =	sst s5  }
0xe: {  	[smem:$0x3FA8] =	sst s6  }
0xf: {  	[smem:$0x3FA9] =	sst s7  }
0x10: {  	[smem:$0x3FAA] =	sst s8  }
0x11: {  	[smem:$0x3FAB] =	sst s9;
	s0 =	simm.s32 @!p0 $0x0  }
0x12: {  	s1 =	sld [smem:$0x3F91];
	s0 =	simm.s32 @p0 $0x1  }
0x13: {  	[smem:$0x3FAC] =	sst s0;
	s0 =	simm.s32 @!p1 $0x0  }
0x14: {  	s2 =	sld [smem:$0x3F90];
	s0 =	simm.s32 @p1 $0x1  }
0x15: {  	[smem:$0x3FAD] =	sst s0;
	s0 =	simm.s32 @!p2 $0x0  }
0x16: {  	s3 =	sld [smem:$0x3FDB];
	s0 =	simm.s32 @p2 $0x1  }
0x17: {  	s4 =	simm.s32 $0x1BF5;
	[smem:$0x3FAF] =	sst s0  }
0x18: {  	s0 =	sld [smem:$0x3F92];
	_ =	swait.ge [sflag:s4], $0x0  }
0x19: {  	s7 =	sld [smem:$0x3F93]  }
0x1a: {  	s8 =	sadd.s32 $0xFFFFE003, lr  }
0x1b: {  	s9 =	sadd.s32 $0xFFFFFEF7, lr;
	s5 =	simm.s32 $0xFFFFFFFF;
	p2 =	slt.u32 s8, $0xFFFFF086  }
0x1c: {  	p1 =	slt.u32 s9, $0xF7A;
	s5 =	simm.s32 @!p2 $0x0  }
0x1d: {  	s5 =	simm.s32 @p1 $0x1;
	p0 =	seq.s32 s7, s2  }
0x1e: {  	s7 =	smul.u32 @!p0 $0xF7A, s2;
	p2 =	seq.s32 @!p0 s5, $0x0  }
0x1f: {  	s9 =	smul.u32 $0xF7A, s1;
	s8 =	simm.s32 @!p0 $0x1BF5;
	p2 =	por !p2, p0  }
0x20: {  	[sflag:s8] =	ssyncset.s32 @!p0 $0xFFFFF086;
	s6 =	sadd.s32 @!p0 s3, s7;
	s7 =	simm.s32 @!p0 $0x108  }
0x21: {  	s3 =	sadd.s32 s3, s9;
	s6 =	sadd.s32 @!p0 $0x88, s6;
	s7 =	simm.s32 @p2 $0x1082  }
0x22: {  	[simem:s7], [sflag:s8] =	dma.local @!p0 [hbm:s6], $0xF7A  }
0x23: {  	s9 =	sor.u32 $0xD0000000, s2;
	s6 =	simm.s32 $0x108;
	_ =	swait.ge @!p0 [sflag:s8], $0x0  }
0x24: {  	s3 =	sadd.s32 $0x88, s3;
	s6 =	simm.s32 @!p1 $0x1082;
	[sflag:s4] =	ssyncset.s32 $0xFFFFF086  }
0x25: {  	[simem:s6], [sflag:s4] =	dma.local [hbm:s3], $0xF7A  }
0x26: {  	[smem:$0x3F93] =	sst s1;
	(tag) =	ssettag s2;
	_ =	strace s9  }
0x27: {  	s1 =	sld [smem:$0x3FA3]  }
0x28: {  	s2 =	sld [smem:$0x3FA4]  }
0x29: {  	s4 =	sld [smem:$0x3FA6]  }
0x2a: {  	p0 =	seq.s32 s5, $0x0;
	s5 =	sld [smem:$0x3FA7]  }
0x2b: {  	s6 =	sld [smem:$0x3FA8]  }
0x2c: {  	s7 =	sld [smem:$0x3FA9]  }
0x2d: {  	s3 =	simm.s32 $0x108;
	s8 =	sld [smem:$0x3FAA]  }
0x2e: {  	s3 =	simm.s32 @!p0 $0x1082;
	s9 =	sld [smem:$0x3FAB]  }
0x2f: {  	lr =	sadd.s32 s0, s3;
	s0 =	sld [smem:$0x3FA2]  }
0x30: {  	s3 =	sld [smem:$0x3FA5]  }
0x31: {  	[smem:$0x3FAE] =	sst s10  }
0x32: {  	s10 =	sld [smem:$0x3FAC];
	_ =	sdelay $0x3  }
0x33: {  	p0 =	seq.s32 s10, $0x1;
	s10 =	sld [smem:$0x3FAE];
	_ =	sdelay $0x3  }
0x34: {  	[smem:$0x3FAE] =	sst s10  }
0x35: {  	s10 =	sld [smem:$0x3FAD];
	_ =	sdelay $0x3  }
0x36: {  	p1 =	seq.s32 s10, $0x1;
	s10 =	sld [smem:$0x3FAE];
	_ =	sdelay $0x3  }
0x37: {  	[smem:$0x3FAE] =	sst s10  }
0x38: {  	s10 =	sld [smem:$0x3FAF]  }
0x39: {  	_ = 	snop;
	(pc) =	sbr.ind lr, $3  }
0x3a: {  	_ = 	snop  }
0x3b: {  	_ = 	snop  }
0x3c: {  	p2 =	seq.s32 s10, $0x1;
	s10 =	sld [smem:$0x3FAE]  }
0x3d: {  	_ =	shalt  }
0x3e: {  	_ =	shalt  }
0x3f: {  	_ =	shalt  }
0x40: {  	_ =	shalt  }
0x41: {  	_ =	shalt  }
0x42: {  	_ =	shalt  }
0x43: {  	_ =	shalt  }
0x44: {  	_ =	shalt  }
0x45: {  	_ =	shalt  }
0x46: {  	_ =	shalt  }
0x47: {  	_ =	shalt  }
0x48: {  	_ =	shalt  }
0x49: {  	_ =	shalt  }
0x4a: {  	_ =	shalt  }
0x4b: {  	_ =	shalt  }
0x4c: {  	_ =	shalt  }
0x4d: {  	_ =	shalt  }
0x4e: {  	_ =	shalt  }
0x4f: {  	_ =	shalt  }
0x50: {  	_ =	shalt  }
0x51: {  	_ =	shalt  }
0x52: {  	_ =	shalt  }
0x53: {  	_ =	shalt  }
0x54: {  	_ =	shalt  }
0x55: {  	_ =	shalt  }
0x56: {  	_ =	shalt  }
0x57: {  	_ =	shalt  }
0x58: {  	_ =	shalt  }
0x59: {  	_ =	shalt  }
0x5a: {  	_ =	shalt  }
0x5b: {  	_ =	shalt  }
0x5c: {  	_ =	shalt  }
0x5d: {  	_ =	shalt  }
0x5e: {  	_ =	shalt  }
0x5f: {  	_ =	shalt  }
0x60: {  	_ =	shalt  }
0x61: {  	_ =	shalt  }
0x62: {  	_ =	shalt  }
0x63: {  	_ =	shalt  }
0x64: {  	_ =	shalt  }
0x65: {  	_ =	shalt  }
0x66: {  	_ =	shalt  }
0x67: {  	_ =	shalt  }
0x68: {  	_ =	shalt  }
0x69: {  	_ =	shalt  }
0x6a: {  	_ =	shalt  }
0x6b: {  	_ =	shalt  }
0x6c: {  	_ =	shalt  }
0x6d: {  	_ =	shalt  }
0x6e: {  	_ =	shalt  }
0x6f: {  	_ =	shalt  }
0x70: {  	_ =	shalt  }
0x71: {  	_ =	shalt  }
0x72: {  	_ =	shalt  }
0x73: {  	_ =	shalt  }
0x74: {  	_ =	shalt  }
0x75: {  	_ =	shalt  }
0x76: {  	_ =	shalt  }
0x77: {  	_ =	shalt  }
0x78: {  	_ =	shalt  }
0x79: {  	_ =	shalt  }
0x7a: {  	_ =	shalt  }
0x7b: {  	_ =	shalt  }
0x7c: {  	_ =	shalt  }
0x7d: {  	_ =	shalt  }
0x7e: {  	_ =	shalt  }
0x7f: {  	_ =	shalt  }
0x80: {  	_ =	shalt  }
0x81: {  	_ =	shalt  }
0x82: {  	_ =	shalt  }
0x83: {  	_ =	shalt  }
0x84: {  	_ =	shalt  }
0x85: {  	_ =	shalt  }
0x86: {  	_ =	shalt  }
0x87: {  	_ =	shalt  }
.Lfunc_end0:
.L_simem_size_0:
called_computation.1_lowered:
.L_overlay_start_0:
0x88: {  	s2 =	sld [smem:$0x3FD9]  }
0x89: {  	s3 =	sld [smem:$0x3FFE];
	_ =	sdelay $0x1  }
0x8a: {  	s1 =	srdreg.scid  }
0x8b: {  	s0 =	sand.u32 $0x1, s1  }
0x8c: {  	s17 =	sshll.u32 s0, $0xA;
	s2 =	sadd.s32 s3, s2  }
0x8d: {  	s2 =	sadd.s32 s2, s17  }
0x8e: {  	[smem:$0x3FBA] =	sst s2  }
0x8f: {  	_ = 	snop  }
0x90: {  	s2 =	sld [smem:$0x3FD0];
	(tm) =	ssettm $0x1  }
0x91: {  	s18 =	sld [smem:$0x3FFB];
	_ =	sdelay $0x3  }
0x92: {  	_ =	strace s18  }
0x93: {  	s3 =	sld [smem:$0x3FFC];
	_ =	sdelay $0x3  }
0x94: {  	_ =	strace s3  }
0x95: {  	s3 =	sld [smem:$0x3FFD];
	_ =	sdelay $0x3  }
0x96: {  	_ =	strace s3  }
0x97: {  	_ =	strace $0x8FFFFFFF  }
0x98: {  	s19 =	sld [smem:$0x3FDB];
	_ =	sdelay $0x1  }
0x99: {  	s4 =	simm.s32 $_scs_section_size  }
0x9a: {  	s5 =	simm.s32 $_size__tile_overlayer_lowered;
	s6 =	simm.s32 $_tile_overlayer_lowered  }
0x9b: {  	s22 =	simm.s32 $0x1BFF;
	s21 =	sshll.u32 s6, $0x1;
	s3 =	sadd.s32 s4, s19  }
0x9c: {  	s7 =	simm.s32 $0x0;
	s20 =	sshll.u32 s5, $0x1;
	s5 =	sadd.s32 s21, s3  }
0x9d: {  	[timem:s7], [sflag:s22] =	dma.local [hbm:s5], s20  }
0x9e: {  	_ =	swait.ge [sflag:s22], s20  }
0x9f: {  	s4 =	ssub.s32 $0x0, s20;
	[sflag:s22] =	ssyncset.done $0x0  }
0xa0: {  	[sflag:s22] =	ssyncadd.s32 s4;
	_ =	sdelay $0x1  }
0xa1: {  	s23 =	simm.s32 $0x1B8B  }
0xa2: {  	_ =	swait.ge [sflag:s23], $0x1  }
0xa3: {  	[sflag:s23] =	ssyncset.done $0x0  }
0xa4: {  	s25 =	simm.s32 $0x1B8E;
	s24 =	sld [smem:$0x3FFE];
	[sflag:s23] =	ssyncadd.s32 $0xFFFFFFFF  }
0xa5: {  	s26 =	simm.s32 $execute0_lowered;
	[smem:$0x3FD2] =	sst s25  }
0xa6: {  	s5 =	sshll.u32 s26, $0x1;
	_ =	strace $0x80000049;
	[dreg:$0x1] =	wrdreg $0xFFFFFFFF  }
0xa7: {  	s28 =	simm.s32 $_size_execute0_lowered;
	s3 =	sadd.s32 s3, s5;
	[dreg:$0x0] =	wrdreg $0x0  }
0xa8: {  	s5 =	sshll.u32 s28, $0x1;
	[dreg:$0x2] =	wrdreg s3  }
0xa9: {  	[dreg:$0x3] =	wrdreg s5  }
0xaa: {  	[dreg:$0x4] =	wrdreg $0xC0  }
0xab: {  	_ =	task [dreg:s7], $0x5FFFF  }
0xac: {  	[dreg:$0x1] =	wrdreg $0xFFFFFFFF  }
0xad: {  	[dreg:$0x0] =	wrdreg $0x60  }
0xae: {  	[dreg:$0x2] =	wrdreg s24  }
0xaf: {  	[dreg:$0x3] =	wrdreg s2  }
0xb0: {  	[dreg:$0x4] =	wrdreg $0xDE000  }
0xb1: {  	[dreg:$0x5] =	wrdreg $0x9  }
0xb2: {  	_ =	task.clear_ibuf [dreg:s7], $0x6FFFF;
	_ =	strace $0x90000049  }
0xb3: {  	s29 =	simm.s32 $0x9;
	_ =	strace $0x8000004B  }
0xb4: {  	_ =	swait.ge [sflag:s29], $0x1  }
0xb5: {  	[sflag:s29] =	ssyncadd.s32 $0xFFFFFFFF  }
0xb6: {  	_ =	strace $0x9000004B  }
0xb7: {  	_ =	sfence  }
0xb8: {  	s30 =	sld [smem:$0x0];
	_ =	sdelay $0x2  }
0xb9: {  	s31 =	sshll.u32 s1, $0xD;
	s1 =	sshrl.u32 s1, $0x2  }
0xba: {  	s3 =	sand.u32 $0x4000, s31;
	s1 =	sadd.s32 s1, s30  }
0xbb: {  	s0 =	sor.u32 s3, s0;
	s1 =	sshll.u32 s1, $0x11  }
0xbc: {  	s0 =	sor.u32 s1, s0  }
0xbd: {  	s0 =	sadd.s32 $0x8F2B, s0  }
0xbe: {  	[sflag:s0] =	ssyncadd.remote.s32 $0x1  }
0xbf: {  	_ =	sfence.sel $0xFFFF  }
0xc0: {  	[dreg:$0x0] =	wrdreg $0xFFFFFFFF;
	(pc) =	sbr.abs _section_cstart, $3  }
0xc1: {  	[dreg:$0x1] =	wrdreg $0xFFFFFFFF  }
0xc2: {  	_ =	task.clear_ibuf [dreg:s7], $0x2FFFF;
	_ =	strace $0x9FFFFFFF  }
0xc3: {  	(tm) =	ssettm $0x7FFFFFFF  }
tec
execute0_lowered:
.L_overlay_start_1:
0x0: {  	(tag) =	ssettag $0x1  }
0x1: {  	s7 =	rddreg [dreg:$0x0]  }
0x2: {  	s2 =	rddreg [dreg:$0x1]  }
0x3: {  	s3 =	rddreg [dreg:$0x2]  }
0x4: {  	s0 =	rddreg [dreg:$0x3];
	s1 =	stileid.u32  }
0x5: {  	s4 =	simm.s32 $0x0;
	s6 =	srdreg.scid;
	s24 =	simm.s32 $0x9E00  }
0x6: {  	s25 =	simm.s32 $0x1;
	s26 =	simm.s32 $0x0;
	s5 =	smul.u32 $0x9E0, s1  }
0x7: {  	[smem:$0x7FF] =	sst s4;
	s20 =	sand.u32 $0x1, s6;
	s13 =	smul.u32 $0xA000, s1  }
0x8: {  	s6 =	sadd.s32 $0x67400, s7;
	s18 =	sadd.s32 $0x8F400, s7;
	_ =	strace $0x8000004A  }
0x9: {  	s9 =	ssub.s32 $0x2, s20;
	s17 =	smul.u32 $0xA0000, s20;
	p0 =	sne.s32 s20, $0x0  }
0xa: {  	s20 =	simm.s32 $0x2;
	s8 =	sadd.s32 s5, s7;
	s5 =	sadd.s32 $0x7B400, s7  }
0xb: {  	s10 =	sshrl.u32 s9, $0x1;
	s14 =	sadd.s32 $0x2000, s13;
	s16 =	sadd.s32 $0x4000, s13  }
0xc: {  	s21 =	sadd.s32 $0x6000, s13;
	s22 =	sadd.s32 $0x8000, s13;
	s19 =	ssub.s32 s9, s10  }
0xd: {  	s7 =	sadd.s32 $0xD600, s8;
	s8 =	sadd.s32 $0x3200, s8;
	s9 =	sadd.s32 s13, s3  }
0xe: {  	s10 =	sadd.s32 s14, s3;
	s11 =	sadd.s32 s16, s3;
	s12 =	sadd.s32 s21, s3  }
0xf: {  	s15 =	sadd.s32 s13, s17;
	s14 =	sadd.s32 s17, s14;
	s13 =	sadd.s32 s22, s3  }
0x10: {  	s16 =	sadd.s32 s17, s16;
	s21 =	sadd.s32 s17, s21;
	s17 =	sadd.s32 s17, s22  }
.Ltmp0:
0x11: {  	s15 =	sshrl.u32 s15, $0x3;
	s23 =	sshrl.u32 s14, $0x3;
	(pc) =	sbr.rel .LBB2_1-.Ltmp0, $4  }
0x12: {  	s16 =	sshrl.u32 s16, $0x3;
	s21 =	sshrl.u32 s21, $0x3;
	s22 =	sshrl.u32 s17, $0x3  }
0x13: {  	s19 =	smax.u32 s19, $0x1;
	s14 =	sadd.s32 s18, s15;
	s15 =	sadd.s32 s18, s23  }
0x14: {  	s16 =	sadd.s32 s18, s16;
	s17 =	sadd.s32 s18, s21;
	s18 =	sadd.s32 s18, s22  }
0x15: {  	s21 =	simm.s32 $0x4F00;
	s22 =	simm.s32 $0xBE00;
	s23 =	simm.s32 $0x80  }
.LBB2_7:
0x16: {  	s28 =	sshra.s32 s28, $0x2;
	[sflag:s20] =	ssyncadd.s32 $0xFFFFE000  }
0x17: {  	[tilespmem:s24], [sflag:$0x1] =	stream.indirect.gather [hbm4b:s6+s23], $0x40, s28, s23, $0xb8;
	[tilespmem:$0x17E00] =	vst v63  }
0x18: {  	_ =	swait.ge [sflag:s25], $0x2000  }
0x19: {  	[sflag:s25] =	ssyncset.done $0x0  }
0x1a: {  	s28 =	sadd.s32 $0x4F00, s28;
	[sflag:s25] =	ssyncadd.s32 $0xFFFFE000  }
0x1b: {  	[spmem:s3] =	stream.indirect.scatter.add.f32 [tilespmem:s24], [sflag:$0x2], $0x40, s28, s23, $0xb8;
	[tilespmem:$0x17E00] =	vst v63  }
0x1c: {  	_ =	swait.ge [sflag:s20], $0x2000  }
0x1d: {  	[sflag:s20] =	ssyncset.done $0x0  }
0x1e: {  	[sflag:s20] =	ssyncadd.s32 $0xFFFFE000  }
.LBB2_8:
0x1f: {  	[bflag:$0x0] =	sbarrier.arrive $0xFFFF  }
0x20: {  	[tilespmem:s22], [sflag:$0x2] =	stream.linear.gather [spmem:s9], $0x2000, $0x38;
	[tilespmem:$0x17E00] =	vst v63  }
0x21: {  	_ =	swait.ge [sflag:s20], $0x2000  }
0x22: {  	[sflag:s20] =	ssyncset.done $0x0  }
0x23: {  	[sflag:s20] =	ssyncadd.s32 $0xFFFFE000  }
0x24: {  	[hbm4b:s14+s4] =	stream.linear.scatter [tilespmem:s22], [sflag:$0x2], $0x2000, $0x38;
	[tilespmem:$0x17E00] =	vst v63  }
0x25: {  	_ =	swait.ge [sflag:s20], $0x2000  }
0x26: {  	[sflag:s20] =	ssyncset.done $0x0  }
0x27: {  	[sflag:s20] =	ssyncadd.s32 $0xFFFFE000  }
0x28: {  	[tilespmem:s22], [sflag:$0x2] =	stream.linear.gather [spmem:s10], $0x2000, $0x38;
	[tilespmem:$0x17E00] =	vst v63  }
0x29: {  	_ =	swait.ge [sflag:s20], $0x2000  }
0x2a: {  	[sflag:s20] =	ssyncset.done $0x0  }
0x2b: {  	[sflag:s20] =	ssyncadd.s32 $0xFFFFE000  }
0x2c: {  	[hbm4b:s15+s4] =	stream.linear.scatter [tilespmem:s22], [sflag:$0x2], $0x2000, $0x38;
	[tilespmem:$0x17E00] =	vst v63  }
0x2d: {  	_ =	swait.ge [sflag:s20], $0x2000  }
0x2e: {  	[sflag:s20] =	ssyncset.done $0x0  }
0x2f: {  	[sflag:s20] =	ssyncadd.s32 $0xFFFFE000  }
0x30: {  	[tilespmem:s22], [sflag:$0x2] =	stream.linear.gather [spmem:s11], $0x2000, $0x38;
	[tilespmem:$0x17E00] =	vst v63  }
0x31: {  	_ =	swait.ge [sflag:s20], $0x2000  }
0x32: {  	[sflag:s20] =	ssyncset.done $0x0  }
0x33: {  	[sflag:s20] =	ssyncadd.s32 $0xFFFFE000  }
0x34: {  	[hbm4b:s16+s4] =	stream.linear.scatter [tilespmem:s22], [sflag:$0x2], $0x2000, $0x38;
	[tilespmem:$0x17E00] =	vst v63  }
0x35: {  	_ =	swait.ge [sflag:s20], $0x2000  }
0x36: {  	[sflag:s20] =	ssyncset.done $0x0  }
0x37: {  	[sflag:s20] =	ssyncadd.s32 $0xFFFFE000  }
0x38: {  	[tilespmem:s22], [sflag:$0x2] =	stream.linear.gather [spmem:s12], $0x2000, $0x38;
	[tilespmem:$0x17E00] =	vst v63  }
0x39: {  	_ =	swait.ge [sflag:s20], $0x2000  }
0x3a: {  	[sflag:s20] =	ssyncset.done $0x0  }
0x3b: {  	[sflag:s20] =	ssyncadd.s32 $0xFFFFE000  }
0x3c: {  	[hbm4b:s17+s4] =	stream.linear.scatter [tilespmem:s22], [sflag:$0x2], $0x2000, $0x38;
	[tilespmem:$0x17E00] =	vst v63  }
0x3d: {  	_ =	swait.ge [sflag:s20], $0x2000  }
0x3e: {  	[sflag:s20] =	ssyncset.done $0x0  }
0x3f: {  	[sflag:s20] =	ssyncadd.s32 $0xFFFFE000  }
0x40: {  	[tilespmem:s22], [sflag:$0x2] =	stream.linear.gather [spmem:s13], $0x2000, $0x38;
	[tilespmem:$0x17E00] =	vst v63  }
0x41: {  	s26 =	sadd.s32 $0x1, s26;
	_ =	swait.ge [sflag:s20], $0x2000  }
0x42: {  	p1 =	sne.s32 s26, s19;
	[sflag:s20] =	ssyncset.done $0x0  }
.Ltmp1:
0x43: {  	[sflag:s20] =	ssyncadd.s32 $0xFFFFE000;
	(pc) =	sbr.rel @!p1 .LBB2_9-.Ltmp1, $4  }
0x44: {  	[hbm4b:s18+s4] =	stream.linear.scatter [tilespmem:s22], [sflag:$0x2], $0x2000, $0x38;
	[tilespmem:$0x17E00] =	vst v63  }
0x45: {  	_ =	swait.ge [sflag:s20], $0x2000  }
0x46: {  	[sflag:s20] =	ssyncset.done $0x0  }
0x47: {  	[sflag:s20] =	ssyncadd.s32 $0xFFFFE000  }
.LBB2_1:
0x48: {  	[tilespmem:s4], [sflag:$0x2] =	stream.linear.gather [hbm4b:s7+s4], $0x4F00, $0x38;
	[tilespmem:$0x17E00] =	vst v63  }
0x49: {  	_ =	swait.ge [sflag:s20], $0x4F00  }
0x4a: {  	[sflag:s20] =	ssyncset.done $0x0  }
0x4b: {  	[sflag:s20] =	ssyncadd.s32 $0xFFFFB100  }
0x4c: {  	[tilespmem:s21], [sflag:$0x2] =	stream.linear.gather [hbm4b:s8+s4], $0x4F00, $0x38;
	[tilespmem:$0x17E00] =	vst v63  }
0x4d: {  	_ =	swait.ge [sflag:s20], $0x4F00  }
0x4e: {  	[sflag:s20] =	ssyncset.done $0x0  }
0x4f: {  	[sflag:s20] =	ssyncadd.s32 $0xFFFFB100  }
0x50: {  	[tilespmem:s22], [sflag:$0x2] =	stream.linear.gather [hbm4b:s2+s4], $0x2000, $0x38;
	[tilespmem:$0x17E00] =	vst v63  }
0x51: {  	_ =	swait.ge [sflag:s20], $0x2000  }
0x52: {  	[sflag:s20] =	ssyncset.done $0x0  }
0x53: {  	[sflag:s20] =	ssyncadd.s32 $0xFFFFE000  }
0x54: {  	[spmem:s9] =	stream.linear.scatter [tilespmem:s22], [sflag:$0x2], $0x2000, $0x38;
	[tilespmem:$0x17E00] =	vst v63  }
0x55: {  	_ =	swait.ge [sflag:s20], $0x2000  }
0x56: {  	[sflag:s20] =	ssyncset.done $0x0  }
0x57: {  	[sflag:s20] =	ssyncadd.s32 $0xFFFFE000  }
0x58: {  	[spmem:s10] =	stream.linear.scatter [tilespmem:s22], [sflag:$0x2], $0x2000, $0x38;
	[tilespmem:$0x17E00] =	vst v63  }
0x59: {  	_ =	swait.ge [sflag:s20], $0x2000  }
0x5a: {  	[sflag:s20] =	ssyncset.done $0x0  }
0x5b: {  	[sflag:s20] =	ssyncadd.s32 $0xFFFFE000  }
0x5c: {  	[spmem:s11] =	stream.linear.scatter [tilespmem:s22], [sflag:$0x2], $0x2000, $0x38;
	[tilespmem:$0x17E00] =	vst v63  }
0x5d: {  	_ =	swait.ge [sflag:s20], $0x2000  }
0x5e: {  	[sflag:s20] =	ssyncset.done $0x0  }
0x5f: {  	[sflag:s20] =	ssyncadd.s32 $0xFFFFE000  }
0x60: {  	[spmem:s12] =	stream.linear.scatter [tilespmem:s22], [sflag:$0x2], $0x2000, $0x38;
	[tilespmem:$0x17E00] =	vst v63  }
0x61: {  	_ =	swait.ge [sflag:s20], $0x2000  }
0x62: {  	[sflag:s20] =	ssyncset.done $0x0  }
0x63: {  	[sflag:s20] =	ssyncadd.s32 $0xFFFFE000  }
0x64: {  	[spmem:s13] =	stream.linear.scatter [tilespmem:s22], [sflag:$0x2], $0x2000, $0x38;
	[tilespmem:$0x17E00] =	vst v63  }
.Ltmp2:
0x65: {  	_ =	swait.ge [sflag:s20], $0x2000;
	(pc) =	sbr.rel @p0 .LBB2_5-.Ltmp2, $4  }
0x66: {  	[sflag:s20] =	ssyncset.done $0x0  }
0x67: {  	[sflag:s20] =	ssyncadd.s32 $0xFFFFE000  }
0x68: {  	[bflag:$0x0] =	sbarrier.arrive $0xFFFF  }
0x69: {  	s28 =	simm.s32 $0x0  }
0x6a: {  	[tilespmem:s24], [sflag:$0x1] =	stream.indirect.gather [hbm4b:s5+s23], $0x40, s28, s23, $0xb8;
	[tilespmem:$0x17E00] =	vst v63  }
0x6b: {  	_ =	swait.ge [sflag:s25], $0x2000  }
0x6c: {  	[sflag:s25] =	ssyncset.done $0x0  }
0x6d: {  	s28 =	simm.s32 $0x4F00;
	[sflag:s25] =	ssyncadd.s32 $0xFFFFE000  }
0x6e: {  	[spmem:s3] =	stream.indirect.scatter.add.f32 [tilespmem:s24], [sflag:$0x2], $0x40, s28, s23, $0xb8;
	[tilespmem:$0x17E00] =	vst v63  }
0x6f: {  	_ =	swait.ge [sflag:s20], $0x2000  }
0x70: {  	s29 =	simm.s32 $0x400;
	s28 =	simm.s32 $0x200;
	[sflag:s20] =	ssyncset.done $0x0  }
.LBB2_3:
0x71: {  	s30 =	sshra.s32 s28, $0x2  }
0x72: {  	[sflag:s20] =	ssyncadd.s32 $0xFFFFE000;
	s28 =	smov.u32 s29;
	s31 =	sadd.s32 $0x200, s29  }
0x73: {  	[tilespmem:s24], [sflag:$0x1] =	stream.indirect.gather [hbm4b:s5+s23], $0x40, s30, s23, $0xb8;
	[tilespmem:$0x17E00] =	vst v63  }
0x74: {  	p1 =	seq.s32 s29, $0x13A00;
	_ =	swait.ge [sflag:s25], $0x2000  }
.Ltmp3:
0x75: {  	[sflag:s25] =	ssyncset.done $0x0;
	(pc) =	sbr.rel @!p1 .LBB2_3-.Ltmp3, $4  }
0x76: {  	s29 =	sadd.s32 $0x4F00, s30;
	[sflag:s25] =	ssyncadd.s32 $0xFFFFE000  }
0x77: {  	[spmem:s3] =	stream.indirect.scatter.add.f32 [tilespmem:s24], [sflag:$0x2], $0x40, s29, s23, $0xb8;
	[tilespmem:$0x17E00] =	vst v63  }
0x78: {  	_ =	swait.ge [sflag:s20], $0x2000  }
0x79: {  	s29 =	smov.u32 s31;
	[sflag:s20] =	ssyncset.done $0x0  }
0x7a: {  	s28 =	sshra.s32 s28, $0x2;
	[sflag:s20] =	ssyncadd.s32 $0xFFFFE000  }
0x7b: {  	[tilespmem:s24], [sflag:$0x1] =	stream.indirect.gather [hbm4b:s5+s23], $0x40, s28, s23, $0xb8;
	[tilespmem:$0x17E00] =	vst v63  }
0x7c: {  	_ =	swait.ge [sflag:s25], $0x2000  }
0x7d: {  	[sflag:s25] =	ssyncset.done $0x0  }
.Ltmp4:
0x7e: {  	s28 =	sadd.s32 $0x4F00, s28;
	[sflag:s25] =	ssyncadd.s32 $0xFFFFE000;
	(pc) =	sbr.rel .LBB2_8-.Ltmp4, $4  }
0x7f: {  	[spmem:s3] =	stream.indirect.scatter.add.f32 [tilespmem:s24], [sflag:$0x2], $0x40, s28, s23, $0xb8;
	[tilespmem:$0x17E00] =	vst v63  }
0x80: {  	_ =	swait.ge [sflag:s20], $0x2000  }
0x81: {  	[sflag:s20] =	ssyncset.done $0x0  }
0x82: {  	[sflag:s20] =	ssyncadd.s32 $0xFFFFE000  }
.LBB2_5:
0x83: {  	[tilespmem:s24], [sflag:$0x1] =	stream.indirect.gather [hbm4b:s6+s23], $0x40, s28, s23, $0xb8;
	[tilespmem:$0x17E00] =	vst v63  }
0x84: {  	_ =	swait.ge [sflag:s25], $0x2000  }
0x85: {  	[sflag:s25] =	ssyncset.done $0x0  }
0x86: {  	s28 =	simm.s32 $0x4F00;
	[sflag:s25] =	ssyncadd.s32 $0xFFFFE000  }
0x87: {  	[spmem:s3] =	stream.indirect.scatter.add.f32 [tilespmem:s24], [sflag:$0x2], $0x40, s28, s23, $0xb8;
	[tilespmem:$0x17E00] =	vst v63  }
0x88: {  	_ =	swait.ge [sflag:s20], $0x2000  }
0x89: {  	s29 =	simm.s32 $0x400;
	s28 =	simm.s32 $0x200;
	[sflag:s20] =	ssyncset.done $0x0  }
.LBB2_6:
0x8a: {  	s30 =	sshra.s32 s28, $0x2  }
0x8b: {  	[sflag:s20] =	ssyncadd.s32 $0xFFFFE000;
	s28 =	smov.u32 s29;
	s31 =	sadd.s32 $0x200, s29  }
0x8c: {  	[tilespmem:s24], [sflag:$0x1] =	stream.indirect.gather [hbm4b:s6+s23], $0x40, s30, s23, $0xb8;
	[tilespmem:$0x17E00] =	vst v63  }
0x8d: {  	p1 =	sne.s32 s29, $0x13A00;
	_ =	swait.ge [sflag:s25], $0x2000  }
.Ltmp5:
0x8e: {  	[sflag:s25] =	ssyncset.done $0x0;
	(pc) =	sbr.rel @p1 .LBB2_6-.Ltmp5, $4  }
0x8f: {  	s29 =	sadd.s32 $0x4F00, s30;
	[sflag:s25] =	ssyncadd.s32 $0xFFFFE000  }
0x90: {  	[spmem:s3] =	stream.indirect.scatter.add.f32 [tilespmem:s24], [sflag:$0x2], $0x40, s29, s23, $0xb8;
	[tilespmem:$0x17E00] =	vst v63  }
0x91: {  	_ =	swait.ge [sflag:s20], $0x2000  }
0x92: {  	s29 =	smov.u32 s31;
	[sflag:s20] =	ssyncset.done $0x0  }
.Ltmp6:
0x93: {  	_ = 	snop;
	(pc) =	sbr.rel .LBB2_7-.Ltmp6, $1  }
0x94: {  	_ =	sdelay $0x3  }
.LBB2_9:
0x95: {  	_ =	sfence.sel $0x180000  }
0x96: {  	[bflag:$0x0] =	sbarrier.arrive $0xFFFF  }
0x97: {  	p0 =	sne.s32 s1, $0x0;
	_ =	strace $0x9000004A  }
0x98: {  	s0 =	sadd.s32 @!p0 $0x100000, s0;
	[bflag:$0x2] =	sbarrier.arrive $0xFFFF  }
0x99: {  	[sflag:s0] =	ssyncadd.tile.s32 @!p0 $0x1;
	_ =	shalt  }
.Lfunc_end2:
_tile_overlayer_lowered:
.L_overlay_start_2:
0x9a: {  	(tag) =	ssettag $0x2  }
0x9b: {  	s0 =	rddreg [dreg:$0x0];
	s2 =	stileid.u32  }
0x9c: {  	s1 =	rddreg [dreg:$0x1];
	p0 =	sne.s32 s2, $0x0  }
0x9d: {  	s3 =	rddreg [dreg:$0x2];
	[bflag:$0x3] =	sbarrier.arrive $0xFFFF;
	s2 =	simm.s32 @!p0 $0x1C02  }
0x9e: {  	[timem:s3], [sflag:s2] =	dma.local @!p0 [hbm:s0], s1  }
0x9f: {  	s0 =	simm.s32 @!p0 $0x2  }
0xa0: {  	_ =	swait.ge @!p0 [sflag:s0], s1  }
0xa1: {  	s1 =	ssub.s32 @!p0 $0x0, s1;
	[sflag:s0] =	ssyncset.done @!p0 $0x0  }
0xa2: {  	[sflag:s0] =	ssyncadd.s32 @!p0 s1  }
0xa3: {  	[bflag:$0x3] =	sbarrier.arrive $0xFFFF  }
0xa4: {  	_ =	shalt  }

// kernel: kernel.14.cloned.1.call-start
scs
__scs_entry_jumppad:
0x0: {  	(pc) =	sbr.rel $0x88, $3  }
0x1: {  	(tag) =	ssettag $0x0;
	lr =	simm.s32 $0x1  }
0x2: {  	[smem:$0x3F93] =	sst lr;
	_ =	strace $0xD0000000  }
0x3: {  	_ = 	snop  }
0x4: {  	_ = 	snop  }
0x5: {  	_ = 	snop  }
0x6: {  	_ = 	snop  }
0x7: {  	_ = 	snop  }
__scs_overlays_trampoline_lowered:
0x8: {  	[smem:$0x3FA2] =	sst s0  }
0x9: {  	[smem:$0x3FA3] =	sst s1  }
0xa: {  	[smem:$0x3FA4] =	sst s2  }
0xb: {  	[smem:$0x3FA5] =	sst s3  }
0xc: {  	[smem:$0x3FA6] =	sst s4  }
0xd: {  	[smem:$0x3FA7] =	sst s5  }
0xe: {  	[smem:$0x3FA8] =	sst s6  }
0xf: {  	[smem:$0x3FA9] =	sst s7  }
0x10: {  	[smem:$0x3FAA] =	sst s8  }
0x11: {  	[smem:$0x3FAB] =	sst s9;
	s0 =	simm.s32 @!p0 $0x0  }
0x12: {  	s1 =	sld [smem:$0x3F91];
	s0 =	simm.s32 @p0 $0x1  }
0x13: {  	[smem:$0x3FAC] =	sst s0;
	s0 =	simm.s32 @!p1 $0x0  }
0x14: {  	s2 =	sld [smem:$0x3F90];
	s0 =	simm.s32 @p1 $0x1  }
0x15: {  	[smem:$0x3FAD] =	sst s0;
	s0 =	simm.s32 @!p2 $0x0  }
0x16: {  	s3 =	sld [smem:$0x3FDB];
	s0 =	simm.s32 @p2 $0x1  }
0x17: {  	s4 =	simm.s32 $0x1BF5;
	[smem:$0x3FAF] =	sst s0  }
0x18: {  	s0 =	sld [smem:$0x3F92];
	_ =	swait.ge [sflag:s4], $0x0  }
0x19: {  	s7 =	sld [smem:$0x3F93]  }
0x1a: {  	s8 =	sadd.s32 $0xFFFFE003, lr  }
0x1b: {  	s9 =	sadd.s32 $0xFFFFFEF7, lr;
	s5 =	simm.s32 $0xFFFFFFFF;
	p2 =	slt.u32 s8, $0xFFFFF086  }
0x1c: {  	p1 =	slt.u32 s9, $0xF7A;
	s5 =	simm.s32 @!p2 $0x0  }
0x1d: {  	s5 =	simm.s32 @p1 $0x1;
	p0 =	seq.s32 s7, s2  }
0x1e: {  	s7 =	smul.u32 @!p0 $0xF7A, s2;
	p2 =	seq.s32 @!p0 s5, $0x0  }
0x1f: {  	s9 =	smul.u32 $0xF7A, s1;
	s8 =	simm.s32 @!p0 $0x1BF5;
	p2 =	por !p2, p0  }
0x20: {  	[sflag:s8] =	ssyncset.s32 @!p0 $0xFFFFF086;
	s6 =	sadd.s32 @!p0 s3, s7;
	s7 =	simm.s32 @!p0 $0x108  }
0x21: {  	s3 =	sadd.s32 s3, s9;
	s6 =	sadd.s32 @!p0 $0x88, s6;
	s7 =	simm.s32 @p2 $0x1082  }
0x22: {  	[simem:s7], [sflag:s8] =	dma.local @!p0 [hbm:s6], $0xF7A  }
0x23: {  	s9 =	sor.u32 $0xD0000000, s2;
	s6 =	simm.s32 $0x108;
	_ =	swait.ge @!p0 [sflag:s8], $0x0  }
0x24: {  	s3 =	sadd.s32 $0x88, s3;
	s6 =	simm.s32 @!p1 $0x1082;
	[sflag:s4] =	ssyncset.s32 $0xFFFFF086  }
0x25: {  	[simem:s6], [sflag:s4] =	dma.local [hbm:s3], $0xF7A  }
0x26: {  	[smem:$0x3F93] =	sst s1;
	(tag) =	ssettag s2;
	_ =	strace s9  }
0x27: {  	s1 =	sld [smem:$0x3FA3]  }
0x28: {  	s2 =	sld [smem:$0x3FA4]  }
0x29: {  	s4 =	sld [smem:$0x3FA6]  }
0x2a: {  	p0 =	seq.s32 s5, $0x0;
	s5 =	sld [smem:$0x3FA7]  }
0x2b: {  	s6 =	sld [smem:$0x3FA8]  }
0x2c: {  	s7 =	sld [smem:$0x3FA9]  }
0x2d: {  	s3 =	simm.s32 $0x108;
	s8 =	sld [smem:$0x3FAA]  }
0x2e: {  	s3 =	simm.s32 @!p0 $0x1082;
	s9 =	sld [smem:$0x3FAB]  }
0x2f: {  	lr =	sadd.s32 s0, s3;
	s0 =	sld [smem:$0x3FA2]  }
0x30: {  	s3 =	sld [smem:$0x3FA5]  }
0x31: {  	[smem:$0x3FAE] =	sst s10  }
0x32: {  	s10 =	sld [smem:$0x3FAC];
	_ =	sdelay $0x3  }
0x33: {  	p0 =	seq.s32 s10, $0x1;
	s10 =	sld [smem:$0x3FAE];
	_ =	sdelay $0x3  }
0x34: {  	[smem:$0x3FAE] =	sst s10  }
0x35: {  	s10 =	sld [smem:$0x3FAD];
	_ =	sdelay $0x3  }
0x36: {  	p1 =	seq.s32 s10, $0x1;
	s10 =	sld [smem:$0x3FAE];
	_ =	sdelay $0x3  }
0x37: {  	[smem:$0x3FAE] =	sst s10  }
0x38: {  	s10 =	sld [smem:$0x3FAF]  }
0x39: {  	_ = 	snop;
	(pc) =	sbr.ind lr, $3  }
0x3a: {  	_ = 	snop  }
0x3b: {  	_ = 	snop  }
0x3c: {  	p2 =	seq.s32 s10, $0x1;
	s10 =	sld [smem:$0x3FAE]  }
0x3d: {  	_ =	shalt  }
0x3e: {  	_ =	shalt  }
0x3f: {  	_ =	shalt  }
0x40: {  	_ =	shalt  }
0x41: {  	_ =	shalt  }
0x42: {  	_ =	shalt  }
0x43: {  	_ =	shalt  }
0x44: {  	_ =	shalt  }
0x45: {  	_ =	shalt  }
0x46: {  	_ =	shalt  }
0x47: {  	_ =	shalt  }
0x48: {  	_ =	shalt  }
0x49: {  	_ =	shalt  }
0x4a: {  	_ =	shalt  }
0x4b: {  	_ =	shalt  }
0x4c: {  	_ =	shalt  }
0x4d: {  	_ =	shalt  }
0x4e: {  	_ =	shalt  }
0x4f: {  	_ =	shalt  }
0x50: {  	_ =	shalt  }
0x51: {  	_ =	shalt  }
0x52: {  	_ =	shalt  }
0x53: {  	_ =	shalt  }
0x54: {  	_ =	shalt  }
0x55: {  	_ =	shalt  }
0x56: {  	_ =	shalt  }
0x57: {  	_ =	shalt  }
0x58: {  	_ =	shalt  }
0x59: {  	_ =	shalt  }
0x5a: {  	_ =	shalt  }
0x5b: {  	_ =	shalt  }
0x5c: {  	_ =	shalt  }
0x5d: {  	_ =	shalt  }
0x5e: {  	_ =	shalt  }
0x5f: {  	_ =	shalt  }
0x60: {  	_ =	shalt  }
0x61: {  	_ =	shalt  }
0x62: {  	_ =	shalt  }
0x63: {  	_ =	shalt  }
0x64: {  	_ =	shalt  }
0x65: {  	_ =	shalt  }
0x66: {  	_ =	shalt  }
0x67: {  	_ =	shalt  }
0x68: {  	_ =	shalt  }
0x69: {  	_ =	shalt  }
0x6a: {  	_ =	shalt  }
0x6b: {  	_ =	shalt  }
0x6c: {  	_ =	shalt  }
0x6d: {  	_ =	shalt  }
0x6e: {  	_ =	shalt  }
0x6f: {  	_ =	shalt  }
0x70: {  	_ =	shalt  }
0x71: {  	_ =	shalt  }
0x72: {  	_ =	shalt  }
0x73: {  	_ =	shalt  }
0x74: {  	_ =	shalt  }
0x75: {  	_ =	shalt  }
0x76: {  	_ =	shalt  }
0x77: {  	_ =	shalt  }
0x78: {  	_ =	shalt  }
0x79: {  	_ =	shalt  }
0x7a: {  	_ =	shalt  }
0x7b: {  	_ =	shalt  }
0x7c: {  	_ =	shalt  }
0x7d: {  	_ =	shalt  }
0x7e: {  	_ =	shalt  }
0x7f: {  	_ =	shalt  }
0x80: {  	_ =	shalt  }
0x81: {  	_ =	shalt  }
0x82: {  	_ =	shalt  }
0x83: {  	_ =	shalt  }
0x84: {  	_ =	shalt  }
0x85: {  	_ =	shalt  }
0x86: {  	_ =	shalt  }
0x87: {  	_ =	shalt  }
.Lfunc_end0:
.L_simem_size_0:
called_computation.2_lowered:
.L_overlay_start_0:
0x88: {  	s2 =	sld [smem:$0x3FD9]  }
0x89: {  	s3 =	sld [smem:$0x3FFE];
	_ =	sdelay $0x1  }
0x8a: {  	s1 =	srdreg.scid  }
0x8b: {  	s0 =	sand.u32 $0x1, s1  }
0x8c: {  	s17 =	sshll.u32 s0, $0xA;
	s2 =	sadd.s32 s3, s2  }
0x8d: {  	s2 =	sadd.s32 s2, s17  }
0x8e: {  	[smem:$0x3FBA] =	sst s2  }
0x8f: {  	_ = 	snop  }
0x90: {  	s2 =	sld [smem:$0x3FD0];
	(tm) =	ssettm $0x1  }
0x91: {  	s18 =	sld [smem:$0x3FFB];
	_ =	sdelay $0x3  }
0x92: {  	_ =	strace s18  }
0x93: {  	s3 =	sld [smem:$0x3FFC];
	_ =	sdelay $0x3  }
0x94: {  	_ =	strace s3  }
0x95: {  	s3 =	sld [smem:$0x3FFD];
	_ =	sdelay $0x3  }
0x96: {  	_ =	strace s3  }
0x97: {  	_ =	strace $0x8FFFFFFF  }
0x98: {  	s19 =	sld [smem:$0x3FDB];
	_ =	sdelay $0x1  }
0x99: {  	s4 =	simm.s32 $_scs_section_size  }
0x9a: {  	s5 =	simm.s32 $_size__tile_overlayer_lowered;
	s6 =	simm.s32 $_tile_overlayer_lowered  }
0x9b: {  	s22 =	simm.s32 $0x1BFF;
	s21 =	sshll.u32 s6, $0x1;
	s3 =	sadd.s32 s4, s19  }
0x9c: {  	s7 =	simm.s32 $0x0;
	s20 =	sshll.u32 s5, $0x1;
	s5 =	sadd.s32 s21, s3  }
0x9d: {  	[timem:s7], [sflag:s22] =	dma.local [hbm:s5], s20  }
0x9e: {  	_ =	swait.ge [sflag:s22], s20  }
0x9f: {  	s4 =	ssub.s32 $0x0, s20;
	[sflag:s22] =	ssyncset.done $0x0  }
0xa0: {  	[sflag:s22] =	ssyncadd.s32 s4;
	_ =	sdelay $0x1  }
0xa1: {  	s23 =	simm.s32 $0x1B8B  }
0xa2: {  	_ =	swait.ge [sflag:s23], $0x1  }
0xa3: {  	[sflag:s23] =	ssyncset.done $0x0  }
0xa4: {  	s25 =	simm.s32 $0x1B8E;
	s24 =	sld [smem:$0x3FFE];
	[sflag:s23] =	ssyncadd.s32 $0xFFFFFFFF  }
0xa5: {  	s26 =	simm.s32 $execute0_lowered;
	[smem:$0x3FD2] =	sst s25  }
0xa6: {  	s5 =	sshll.u32 s26, $0x1;
	_ =	strace $0x8000004C;
	[dreg:$0x1] =	wrdreg $0xFFFFFFFF  }
0xa7: {  	s28 =	simm.s32 $_size_execute0_lowered;
	s3 =	sadd.s32 s3, s5;
	[dreg:$0x0] =	wrdreg $0x0  }
0xa8: {  	s5 =	sshll.u32 s28, $0x1;
	[dreg:$0x2] =	wrdreg s3  }
0xa9: {  	[dreg:$0x3] =	wrdreg s5  }
0xaa: {  	[dreg:$0x4] =	wrdreg $0xC0  }
0xab: {  	_ =	task [dreg:s7], $0x5FFFF  }
0xac: {  	[dreg:$0x1] =	wrdreg $0xFFFFFFFF  }
0xad: {  	[dreg:$0x0] =	wrdreg $0x60  }
0xae: {  	[dreg:$0x2] =	wrdreg s24  }
0xaf: {  	[dreg:$0x3] =	wrdreg s2  }
0xb0: {  	[dreg:$0x4] =	wrdreg $0x8F000  }
0xb1: {  	[dreg:$0x5] =	wrdreg $0x9  }
0xb2: {  	_ =	task.clear_ibuf [dreg:s7], $0x6FFFF;
	_ =	strace $0x9000004C  }
0xb3: {  	s29 =	simm.s32 $0x9;
	_ =	strace $0x8000004E  }
0xb4: {  	_ =	swait.ge [sflag:s29], $0x1  }
0xb5: {  	[sflag:s29] =	ssyncadd.s32 $0xFFFFFFFF  }
0xb6: {  	_ =	strace $0x9000004E  }
0xb7: {  	_ =	sfence  }
0xb8: {  	s30 =	sld [smem:$0x0];
	_ =	sdelay $0x2  }
0xb9: {  	s31 =	sshll.u32 s1, $0xD;
	s1 =	sshrl.u32 s1, $0x2  }
0xba: {  	s3 =	sand.u32 $0x4000, s31;
	s1 =	sadd.s32 s1, s30  }
0xbb: {  	s0 =	sor.u32 s3, s0;
	s1 =	sshll.u32 s1, $0x11  }
0xbc: {  	s0 =	sor.u32 s1, s0  }
0xbd: {  	s0 =	sadd.s32 $0x8F2B, s0  }
0xbe: {  	[sflag:s0] =	ssyncadd.remote.s32 $0x1  }
0xbf: {  	_ =	sfence.sel $0xFFFF  }
0xc0: {  	[dreg:$0x0] =	wrdreg $0xFFFFFFFF;
	(pc) =	sbr.abs _section_cstart, $3  }
0xc1: {  	[dreg:$0x1] =	wrdreg $0xFFFFFFFF  }
0xc2: {  	_ =	task.clear_ibuf [dreg:s7], $0x2FFFF;
	_ =	strace $0x9FFFFFFF  }
0xc3: {  	(tm) =	ssettm $0x7FFFFFFF  }
tec
execute0_lowered:
.L_overlay_start_1:
0x0: {  	(tag) =	ssettag $0x1  }
0x1: {  	s6 =	rddreg [dreg:$0x0]  }
0x2: {  	s2 =	rddreg [dreg:$0x1]  }
0x3: {  	s0 =	srdreg.scid;
	s3 =	rddreg [dreg:$0x2]  }
0x4: {  	s1 =	stileid.u32;
	s4 =	simm.s32 $0x0;
	s22 =	simm.s32 $0x80  }
0x5: {  	s23 =	simm.s32 $0x4F00;
	s9 =	sand.u32 $0x1, s0;
	s0 =	rddreg [dreg:$0x3]  }
0x6: {  	s24 =	simm.s32 $0x1;
	s25 =	simm.s32 $0x0;
	[smem:$0x7FF] =	sst s4  }
0x7: {  	s17 =	sadd.s32 $0x53400, s6;
	s12 =	smul.u32 $0xA000, s1;
	s5 =	sshll.u32 s9, $0x4  }
0x8: {  	_ =	strace $0x8000004D;
	s8 =	ssub.s32 $0x2, s9;
	s15 =	smul.u32 $0xA0000, s9  }
0x9: {  	s5 =	sor.u32 s1, s5;
	s29 =	sshrl.u32 s8, $0x1;
	s13 =	sadd.s32 $0x2000, s12  }
0xa: {  	s16 =	sadd.s32 $0x4000, s12;
	s19 =	sadd.s32 $0x6000, s12;
	s20 =	sadd.s32 $0x8000, s12  }
0xb: {  	s5 =	smul.u32 $0x4F0, s5;
	s18 =	ssub.s32 s8, s29;
	s8 =	sadd.s32 s12, s3  }
0xc: {  	s9 =	sadd.s32 s13, s3;
	s10 =	sadd.s32 s16, s3;
	s11 =	sadd.s32 s19, s3  }
0xd: {  	s14 =	sadd.s32 s12, s15;
	s21 =	sadd.s32 s15, s13;
	s12 =	sadd.s32 s20, s3  }
0xe: {  	s16 =	sadd.s32 s15, s16;
	s19 =	sadd.s32 s15, s19;
	s20 =	sadd.s32 s15, s20  }
0xf: {  	s14 =	sshrl.u32 s14, $0x3;
	s30 =	sshrl.u32 s21, $0x3;
	s16 =	sshrl.u32 s16, $0x3  }
0x10: {  	s19 =	sshrl.u32 s19, $0x3;
	s31 =	sshrl.u32 s20, $0x3;
	s18 =	smax.u32 s18, $0x1  }
0x11: {  	s20 =	simm.s32 $0x2780;
	s21 =	simm.s32 $0x6F00;
	s7 =	sadd.s32 s5, s6  }
0x12: {  	s5 =	sadd.s32 $0x3F400, s6;
	s13 =	sadd.s32 s17, s14;
	s14 =	sadd.s32 s17, s30  }
0x13: {  	s15 =	sadd.s32 s17, s16;
	s16 =	sadd.s32 s17, s19;
	s17 =	sadd.s32 s17, s31  }
0x14: {  	s19 =	simm.s32 $0x2;
	s6 =	sadd.s32 $0xD600, s7;
	s7 =	sadd.s32 $0x3200, s7  }
.LBB2_1:
0x15: {  	[tilespmem:s4], [sflag:$0x2] =	stream.linear.gather [hbm4b:s6+s4], $0x2780, $0x38;
	[tilespmem:$0x12F00] =	vst v63  }
0x16: {  	_ =	swait.ge [sflag:s19], $0x2780  }
0x17: {  	[sflag:s19] =	ssyncset.done $0x0  }
0x18: {  	[sflag:s19] =	ssyncadd.s32 $0xFFFFD880  }
0x19: {  	[tilespmem:s20], [sflag:$0x2] =	stream.linear.gather [hbm4b:s7+s4], $0x2780, $0x38;
	[tilespmem:$0x12F00] =	vst v63  }
0x1a: {  	_ =	swait.ge [sflag:s19], $0x2780  }
0x1b: {  	[sflag:s19] =	ssyncset.done $0x0  }
0x1c: {  	[sflag:s19] =	ssyncadd.s32 $0xFFFFD880  }
0x1d: {  	[tilespmem:s21], [sflag:$0x2] =	stream.linear.gather [hbm4b:s2+s4], $0x2000, $0x38;
	[tilespmem:$0x12F00] =	vst v63  }
0x1e: {  	_ =	swait.ge [sflag:s19], $0x2000  }
0x1f: {  	[sflag:s19] =	ssyncset.done $0x0  }
0x20: {  	[sflag:s19] =	ssyncadd.s32 $0xFFFFE000  }
0x21: {  	[spmem:s8] =	stream.linear.scatter [tilespmem:s21], [sflag:$0x2], $0x2000, $0x38;
	[tilespmem:$0x12F00] =	vst v63  }
0x22: {  	_ =	swait.ge [sflag:s19], $0x2000  }
0x23: {  	[sflag:s19] =	ssyncset.done $0x0  }
0x24: {  	[sflag:s19] =	ssyncadd.s32 $0xFFFFE000  }
0x25: {  	[spmem:s9] =	stream.linear.scatter [tilespmem:s21], [sflag:$0x2], $0x2000, $0x38;
	[tilespmem:$0x12F00] =	vst v63  }
0x26: {  	_ =	swait.ge [sflag:s19], $0x2000  }
0x27: {  	[sflag:s19] =	ssyncset.done $0x0  }
0x28: {  	[sflag:s19] =	ssyncadd.s32 $0xFFFFE000  }
0x29: {  	[spmem:s10] =	stream.linear.scatter [tilespmem:s21], [sflag:$0x2], $0x2000, $0x38;
	[tilespmem:$0x12F00] =	vst v63  }
0x2a: {  	_ =	swait.ge [sflag:s19], $0x2000  }
0x2b: {  	[sflag:s19] =	ssyncset.done $0x0  }
0x2c: {  	[sflag:s19] =	ssyncadd.s32 $0xFFFFE000  }
0x2d: {  	[spmem:s11] =	stream.linear.scatter [tilespmem:s21], [sflag:$0x2], $0x2000, $0x38;
	[tilespmem:$0x12F00] =	vst v63  }
0x2e: {  	_ =	swait.ge [sflag:s19], $0x2000  }
0x2f: {  	[sflag:s19] =	ssyncset.done $0x0  }
0x30: {  	[sflag:s19] =	ssyncadd.s32 $0xFFFFE000  }
0x31: {  	[spmem:s12] =	stream.linear.scatter [tilespmem:s21], [sflag:$0x2], $0x2000, $0x38;
	[tilespmem:$0x12F00] =	vst v63  }
0x32: {  	_ =	swait.ge [sflag:s19], $0x2000  }
0x33: {  	[sflag:s19] =	ssyncset.done $0x0  }
0x34: {  	[sflag:s19] =	ssyncadd.s32 $0xFFFFE000  }
0x35: {  	s26 =	simm.s32 $0x0;
	[bflag:$0x0] =	sbarrier.arrive $0xFFFF  }
0x36: {  	[tilespmem:s23], [sflag:$0x1] =	stream.indirect.gather [hbm4b:s5+s22], $0x40, s26, s22, $0xb8;
	[tilespmem:$0x12F00] =	vst v63  }
0x37: {  	_ =	swait.ge [sflag:s24], $0x2000  }
0x38: {  	[sflag:s24] =	ssyncset.done $0x0  }
0x39: {  	s31 =	simm.s32 $0x2780;
	[sflag:s24] =	ssyncadd.s32 $0xFFFFE000  }
0x3a: {  	[spmem:s3] =	stream.indirect.scatter.add.f32 [tilespmem:s23], [sflag:$0x2], $0x40, s31, s22, $0xb8;
	[tilespmem:$0x12F00] =	vst v63  }
0x3b: {  	_ =	swait.ge [sflag:s19], $0x2000  }
0x3c: {  	s28 =	simm.s32 $0x400;
	s26 =	simm.s32 $0x200;
	[sflag:s19] =	ssyncset.done $0x0  }
.LBB2_2:
0x3d: {  	s29 =	sshra.s32 s26, $0x2  }
0x3e: {  	[sflag:s19] =	ssyncadd.s32 $0xFFFFE000;
	s26 =	smov.u32 s28;
	s30 =	sadd.s32 $0x200, s28  }
0x3f: {  	[tilespmem:s23], [sflag:$0x1] =	stream.indirect.gather [hbm4b:s5+s22], $0x40, s29, s22, $0xb8;
	[tilespmem:$0x12F00] =	vst v63  }
0x40: {  	p0 =	sne.s32 s28, $0x9C00;
	_ =	swait.ge [sflag:s24], $0x2000  }
.Ltmp0:
0x41: {  	[sflag:s24] =	ssyncset.done $0x0;
	(pc) =	sbr.rel @p0 .LBB2_2-.Ltmp0, $4  }
0x42: {  	s28 =	sadd.s32 $0x2780, s29;
	[sflag:s24] =	ssyncadd.s32 $0xFFFFE000  }
0x43: {  	[spmem:s3] =	stream.indirect.scatter.add.f32 [tilespmem:s23], [sflag:$0x2], $0x40, s28, s22, $0xb8;
	[tilespmem:$0x12F00] =	vst v63  }
0x44: {  	_ =	swait.ge [sflag:s19], $0x2000  }
0x45: {  	s28 =	smov.u32 s30;
	[sflag:s19] =	ssyncset.done $0x0  }
0x46: {  	s26 =	sshra.s32 s26, $0x2;
	[sflag:s19] =	ssyncadd.s32 $0xFFFFE000  }
0x47: {  	[tilespmem:s23], [sflag:$0x1] =	stream.indirect.gather [hbm4b:s5+s22], $0x40, s26, s22, $0xb8;
	[tilespmem:$0x12F00] =	vst v63  }
0x48: {  	_ =	swait.ge [sflag:s24], $0x2000  }
0x49: {  	[sflag:s24] =	ssyncset.done $0x0  }
0x4a: {  	s26 =	sadd.s32 $0x2780, s26;
	[sflag:s24] =	ssyncadd.s32 $0xFFFFE000  }
0x4b: {  	[spmem:s3] =	stream.indirect.scatter.add.f32 [tilespmem:s23], [sflag:$0x2], $0x40, s26, s22, $0xb8;
	[tilespmem:$0x12F00] =	vst v63  }
0x4c: {  	_ =	swait.ge [sflag:s19], $0x2000  }
0x4d: {  	[sflag:s19] =	ssyncset.done $0x0  }
0x4e: {  	[sflag:s19] =	ssyncadd.s32 $0xFFFFE000  }
0x4f: {  	[bflag:$0x0] =	sbarrier.arrive $0xFFFF  }
0x50: {  	[tilespmem:s21], [sflag:$0x2] =	stream.linear.gather [spmem:s8], $0x2000, $0x38;
	[tilespmem:$0x12F00] =	vst v63  }
0x51: {  	_ =	swait.ge [sflag:s19], $0x2000  }
0x52: {  	[sflag:s19] =	ssyncset.done $0x0  }
0x53: {  	[sflag:s19] =	ssyncadd.s32 $0xFFFFE000  }
0x54: {  	[hbm4b:s13+s4] =	stream.linear.scatter [tilespmem:s21], [sflag:$0x2], $0x2000, $0x38;
	[tilespmem:$0x12F00] =	vst v63  }
0x55: {  	_ =	swait.ge [sflag:s19], $0x2000  }
0x56: {  	[sflag:s19] =	ssyncset.done $0x0  }
0x57: {  	[sflag:s19] =	ssyncadd.s32 $0xFFFFE000  }
0x58: {  	[tilespmem:s21], [sflag:$0x2] =	stream.linear.gather [spmem:s9], $0x2000, $0x38;
	[tilespmem:$0x12F00] =	vst v63  }
0x59: {  	_ =	swait.ge [sflag:s19], $0x2000  }
0x5a: {  	[sflag:s19] =	ssyncset.done $0x0  }
0x5b: {  	[sflag:s19] =	ssyncadd.s32 $0xFFFFE000  }
0x5c: {  	[hbm4b:s14+s4] =	stream.linear.scatter [tilespmem:s21], [sflag:$0x2], $0x2000, $0x38;
	[tilespmem:$0x12F00] =	vst v63  }
0x5d: {  	_ =	swait.ge [sflag:s19], $0x2000  }
0x5e: {  	[sflag:s19] =	ssyncset.done $0x0  }
0x5f: {  	[sflag:s19] =	ssyncadd.s32 $0xFFFFE000  }
0x60: {  	[tilespmem:s21], [sflag:$0x2] =	stream.linear.gather [spmem:s10], $0x2000, $0x38;
	[tilespmem:$0x12F00] =	vst v63  }
0x61: {  	_ =	swait.ge [sflag:s19], $0x2000  }
0x62: {  	[sflag:s19] =	ssyncset.done $0x0  }
0x63: {  	[sflag:s19] =	ssyncadd.s32 $0xFFFFE000  }
0x64: {  	[hbm4b:s15+s4] =	stream.linear.scatter [tilespmem:s21], [sflag:$0x2], $0x2000, $0x38;
	[tilespmem:$0x12F00] =	vst v63  }
0x65: {  	_ =	swait.ge [sflag:s19], $0x2000  }
0x66: {  	[sflag:s19] =	ssyncset.done $0x0  }
0x67: {  	[sflag:s19] =	ssyncadd.s32 $0xFFFFE000  }
0x68: {  	[tilespmem:s21], [sflag:$0x2] =	stream.linear.gather [spmem:s11], $0x2000, $0x38;
	[tilespmem:$0x12F00] =	vst v63  }
0x69: {  	_ =	swait.ge [sflag:s19], $0x2000  }
0x6a: {  	[sflag:s19] =	ssyncset.done $0x0  }
0x6b: {  	[sflag:s19] =	ssyncadd.s32 $0xFFFFE000  }
0x6c: {  	[hbm4b:s16+s4] =	stream.linear.scatter [tilespmem:s21], [sflag:$0x2], $0x2000, $0x38;
	[tilespmem:$0x12F00] =	vst v63  }
0x6d: {  	_ =	swait.ge [sflag:s19], $0x2000  }
0x6e: {  	[sflag:s19] =	ssyncset.done $0x0  }
0x6f: {  	[sflag:s19] =	ssyncadd.s32 $0xFFFFE000  }
0x70: {  	[tilespmem:s21], [sflag:$0x2] =	stream.linear.gather [spmem:s12], $0x2000, $0x38;
	[tilespmem:$0x12F00] =	vst v63  }
0x71: {  	s25 =	sadd.s32 $0x1, s25;
	_ =	swait.ge [sflag:s19], $0x2000  }
0x72: {  	p0 =	sne.s32 s25, s18;
	[sflag:s19] =	ssyncset.done $0x0  }
.Ltmp1:
0x73: {  	[sflag:s19] =	ssyncadd.s32 $0xFFFFE000;
	(pc) =	sbr.rel @p0 .LBB2_1-.Ltmp1, $4  }
0x74: {  	[hbm4b:s17+s4] =	stream.linear.scatter [tilespmem:s21], [sflag:$0x2], $0x2000, $0x38;
	[tilespmem:$0x12F00] =	vst v63  }
0x75: {  	_ =	swait.ge [sflag:s19], $0x2000  }
0x76: {  	[sflag:s19] =	ssyncset.done $0x0  }
0x77: {  	[sflag:s19] =	ssyncadd.s32 $0xFFFFE000  }
0x78: {  	_ =	sfence.sel $0x180000  }
0x79: {  	[bflag:$0x0] =	sbarrier.arrive $0xFFFF  }
0x7a: {  	p0 =	sne.s32 s1, $0x0;
	_ =	strace $0x9000004D  }
0x7b: {  	s0 =	sadd.s32 @!p0 $0x100000, s0;
	[bflag:$0x2] =	sbarrier.arrive $0xFFFF  }
0x7c: {  	[sflag:s0] =	ssyncadd.tile.s32 @!p0 $0x1;
	_ =	shalt  }
.Lfunc_end2:
_tile_overlayer_lowered:
.L_overlay_start_2:
0x7d: {  	(tag) =	ssettag $0x2  }
0x7e: {  	s0 =	rddreg [dreg:$0x0];
	s2 =	stileid.u32  }
0x7f: {  	s1 =	rddreg [dreg:$0x1];
	p0 =	sne.s32 s2, $0x0  }
0x80: {  	s3 =	rddreg [dreg:$0x2];
	[bflag:$0x3] =	sbarrier.arrive $0xFFFF;
	s2 =	simm.s32 @!p0 $0x1C02  }
0x81: {  	[timem:s3], [sflag:s2] =	dma.local @!p0 [hbm:s0], s1  }
0x82: {  	s0 =	simm.s32 @!p0 $0x2  }
0x83: {  	_ =	swait.ge @!p0 [sflag:s0], s1  }
0x84: {  	s1 =	ssub.s32 @!p0 $0x0, s1;
	[sflag:s0] =	ssyncset.done @!p0 $0x0  }
0x85: {  	[sflag:s0] =	ssyncadd.s32 @!p0 s1  }
0x86: {  	[bflag:$0x3] =	sbarrier.arrive $0xFFFF  }
0x87: {  	_ =	shalt  }

// kernel: kernel.8.cloned.1.call-start
scs
__scs_entry_jumppad:
0x0: {  	(pc) =	sbr.rel $0x88, $3  }
0x1: {  	(tag) =	ssettag $0x0;
	lr =	simm.s32 $0x1  }
0x2: {  	[smem:$0x3F93] =	sst lr;
	_ =	strace $0xD0000000  }
0x3: {  	_ = 	snop  }
0x4: {  	_ = 	snop  }
0x5: {  	_ = 	snop  }
0x6: {  	_ = 	snop  }
0x7: {  	_ = 	snop  }
__scs_overlays_trampoline_lowered:
0x8: {  	[smem:$0x3FA2] =	sst s0  }
0x9: {  	[smem:$0x3FA3] =	sst s1  }
0xa: {  	[smem:$0x3FA4] =	sst s2  }
0xb: {  	[smem:$0x3FA5] =	sst s3  }
0xc: {  	[smem:$0x3FA6] =	sst s4  }
0xd: {  	[smem:$0x3FA7] =	sst s5  }
0xe: {  	[smem:$0x3FA8] =	sst s6  }
0xf: {  	[smem:$0x3FA9] =	sst s7  }
0x10: {  	[smem:$0x3FAA] =	sst s8  }
0x11: {  	[smem:$0x3FAB] =	sst s9;
	s0 =	simm.s32 @!p0 $0x0  }
0x12: {  	s1 =	sld [smem:$0x3F91];
	s0 =	simm.s32 @p0 $0x1  }
0x13: {  	[smem:$0x3FAC] =	sst s0;
	s0 =	simm.s32 @!p1 $0x0  }
0x14: {  	s2 =	sld [smem:$0x3F90];
	s0 =	simm.s32 @p1 $0x1  }
0x15: {  	[smem:$0x3FAD] =	sst s0;
	s0 =	simm.s32 @!p2 $0x0  }
0x16: {  	s3 =	sld [smem:$0x3FDB];
	s0 =	simm.s32 @p2 $0x1  }
0x17: {  	s4 =	simm.s32 $0x1BF5;
	[smem:$0x3FAF] =	sst s0  }
0x18: {  	s0 =	sld [smem:$0x3F92];
	_ =	swait.ge [sflag:s4], $0x0  }
0x19: {  	s7 =	sld [smem:$0x3F93]  }
0x1a: {  	s8 =	sadd.s32 $0xFFFFE003, lr  }
0x1b: {  	s9 =	sadd.s32 $0xFFFFFEF7, lr;
	s5 =	simm.s32 $0xFFFFFFFF;
	p2 =	slt.u32 s8, $0xFFFFF086  }
0x1c: {  	p1 =	slt.u32 s9, $0xF7A;
	s5 =	simm.s32 @!p2 $0x0  }
0x1d: {  	s5 =	simm.s32 @p1 $0x1;
	p0 =	seq.s32 s7, s2  }
0x1e: {  	s7 =	smul.u32 @!p0 $0xF7A, s2;
	p2 =	seq.s32 @!p0 s5, $0x0  }
0x1f: {  	s9 =	smul.u32 $0xF7A, s1;
	s8 =	simm.s32 @!p0 $0x1BF5;
	p2 =	por !p2, p0  }
0x20: {  	[sflag:s8] =	ssyncset.s32 @!p0 $0xFFFFF086;
	s6 =	sadd.s32 @!p0 s3, s7;
	s7 =	simm.s32 @!p0 $0x108  }
0x21: {  	s3 =	sadd.s32 s3, s9;
	s6 =	sadd.s32 @!p0 $0x88, s6;
	s7 =	simm.s32 @p2 $0x1082  }
0x22: {  	[simem:s7], [sflag:s8] =	dma.local @!p0 [hbm:s6], $0xF7A  }
0x23: {  	s9 =	sor.u32 $0xD0000000, s2;
	s6 =	simm.s32 $0x108;
	_ =	swait.ge @!p0 [sflag:s8], $0x0  }
0x24: {  	s3 =	sadd.s32 $0x88, s3;
	s6 =	simm.s32 @!p1 $0x1082;
	[sflag:s4] =	ssyncset.s32 $0xFFFFF086  }
0x25: {  	[simem:s6], [sflag:s4] =	dma.local [hbm:s3], $0xF7A  }
0x26: {  	[smem:$0x3F93] =	sst s1;
	(tag) =	ssettag s2;
	_ =	strace s9  }
0x27: {  	s1 =	sld [smem:$0x3FA3]  }
0x28: {  	s2 =	sld [smem:$0x3FA4]  }
0x29: {  	s4 =	sld [smem:$0x3FA6]  }
0x2a: {  	p0 =	seq.s32 s5, $0x0;
	s5 =	sld [smem:$0x3FA7]  }
0x2b: {  	s6 =	sld [smem:$0x3FA8]  }
0x2c: {  	s7 =	sld [smem:$0x3FA9]  }
0x2d: {  	s3 =	simm.s32 $0x108;
	s8 =	sld [smem:$0x3FAA]  }
0x2e: {  	s3 =	simm.s32 @!p0 $0x1082;
	s9 =	sld [smem:$0x3FAB]  }
0x2f: {  	lr =	sadd.s32 s0, s3;
	s0 =	sld [smem:$0x3FA2]  }
0x30: {  	s3 =	sld [smem:$0x3FA5]  }
0x31: {  	[smem:$0x3FAE] =	sst s10  }
0x32: {  	s10 =	sld [smem:$0x3FAC];
	_ =	sdelay $0x3  }
0x33: {  	p0 =	seq.s32 s10, $0x1;
	s10 =	sld [smem:$0x3FAE];
	_ =	sdelay $0x3  }
0x34: {  	[smem:$0x3FAE] =	sst s10  }
0x35: {  	s10 =	sld [smem:$0x3FAD];
	_ =	sdelay $0x3  }
0x36: {  	p1 =	seq.s32 s10, $0x1;
	s10 =	sld [smem:$0x3FAE];
	_ =	sdelay $0x3  }
0x37: {  	[smem:$0x3FAE] =	sst s10  }
0x38: {  	s10 =	sld [smem:$0x3FAF]  }
0x39: {  	_ = 	snop;
	(pc) =	sbr.ind lr, $3  }
0x3a: {  	_ = 	snop  }
0x3b: {  	_ = 	snop  }
0x3c: {  	p2 =	seq.s32 s10, $0x1;
	s10 =	sld [smem:$0x3FAE]  }
0x3d: {  	_ =	shalt  }
0x3e: {  	_ =	shalt  }
0x3f: {  	_ =	shalt  }
0x40: {  	_ =	shalt  }
0x41: {  	_ =	shalt  }
0x42: {  	_ =	shalt  }
0x43: {  	_ =	shalt  }
0x44: {  	_ =	shalt  }
0x45: {  	_ =	shalt  }
0x46: {  	_ =	shalt  }
0x47: {  	_ =	shalt  }
0x48: {  	_ =	shalt  }
0x49: {  	_ =	shalt  }
0x4a: {  	_ =	shalt  }
0x4b: {  	_ =	shalt  }
0x4c: {  	_ =	shalt  }
0x4d: {  	_ =	shalt  }
0x4e: {  	_ =	shalt  }
0x4f: {  	_ =	shalt  }
0x50: {  	_ =	shalt  }
0x51: {  	_ =	shalt  }
0x52: {  	_ =	shalt  }
0x53: {  	_ =	shalt  }
0x54: {  	_ =	shalt  }
0x55: {  	_ =	shalt  }
0x56: {  	_ =	shalt  }
0x57: {  	_ =	shalt  }
0x58: {  	_ =	shalt  }
0x59: {  	_ =	shalt  }
0x5a: {  	_ =	shalt  }
0x5b: {  	_ =	shalt  }
0x5c: {  	_ =	shalt  }
0x5d: {  	_ =	shalt  }
0x5e: {  	_ =	shalt  }
0x5f: {  	_ =	shalt  }
0x60: {  	_ =	shalt  }
0x61: {  	_ =	shalt  }
0x62: {  	_ =	shalt  }
0x63: {  	_ =	shalt  }
0x64: {  	_ =	shalt  }
0x65: {  	_ =	shalt  }
0x66: {  	_ =	shalt  }
0x67: {  	_ =	shalt  }
0x68: {  	_ =	shalt  }
0x69: {  	_ =	shalt  }
0x6a: {  	_ =	shalt  }
0x6b: {  	_ =	shalt  }
0x6c: {  	_ =	shalt  }
0x6d: {  	_ =	shalt  }
0x6e: {  	_ =	shalt  }
0x6f: {  	_ =	shalt  }
0x70: {  	_ =	shalt  }
0x71: {  	_ =	shalt  }
0x72: {  	_ =	shalt  }
0x73: {  	_ =	shalt  }
0x74: {  	_ =	shalt  }
0x75: {  	_ =	shalt  }
0x76: {  	_ =	shalt  }
0x77: {  	_ =	shalt  }
0x78: {  	_ =	shalt  }
0x79: {  	_ =	shalt  }
0x7a: {  	_ =	shalt  }
0x7b: {  	_ =	shalt  }
0x7c: {  	_ =	shalt  }
0x7d: {  	_ =	shalt  }
0x7e: {  	_ =	shalt  }
0x7f: {  	_ =	shalt  }
0x80: {  	_ =	shalt  }
0x81: {  	_ =	shalt  }
0x82: {  	_ =	shalt  }
0x83: {  	_ =	shalt  }
0x84: {  	_ =	shalt  }
0x85: {  	_ =	shalt  }
0x86: {  	_ =	shalt  }
0x87: {  	_ =	shalt  }
.Lfunc_end0:
.L_simem_size_0:
called_computation_lowered:
.L_overlay_start_0:
0x88: {  	s2 =	sld [smem:$0x3FD9]  }
0x89: {  	s3 =	sld [smem:$0x3FFE];
	_ =	sdelay $0x1  }
0x8a: {  	s1 =	srdreg.scid  }
0x8b: {  	s0 =	sand.u32 $0x1, s1  }
0x8c: {  	s17 =	sshll.u32 s0, $0xA;
	s2 =	sadd.s32 s3, s2  }
0x8d: {  	s2 =	sadd.s32 s2, s17  }
0x8e: {  	[smem:$0x3FBA] =	sst s2  }
0x8f: {  	_ = 	snop  }
0x90: {  	s2 =	sld [smem:$0x3FD0];
	(tm) =	ssettm $0x1  }
0x91: {  	s18 =	sld [smem:$0x3FFB];
	_ =	sdelay $0x3  }
0x92: {  	_ =	strace s18  }
0x93: {  	s3 =	sld [smem:$0x3FFC];
	_ =	sdelay $0x3  }
0x94: {  	_ =	strace s3  }
0x95: {  	s3 =	sld [smem:$0x3FFD];
	_ =	sdelay $0x3  }
0x96: {  	_ =	strace s3  }
0x97: {  	_ =	strace $0x8FFFFFFF  }
0x98: {  	s19 =	sld [smem:$0x3FDB];
	_ =	sdelay $0x1  }
0x99: {  	s4 =	simm.s32 $_scs_section_size  }
0x9a: {  	s5 =	simm.s32 $_size__tile_overlayer_lowered;
	s6 =	simm.s32 $_tile_overlayer_lowered  }
0x9b: {  	s22 =	simm.s32 $0x1BFF;
	s21 =	sshll.u32 s6, $0x1;
	s3 =	sadd.s32 s4, s19  }
0x9c: {  	s7 =	simm.s32 $0x0;
	s20 =	sshll.u32 s5, $0x1;
	s5 =	sadd.s32 s21, s3  }
0x9d: {  	[timem:s7], [sflag:s22] =	dma.local [hbm:s5], s20  }
0x9e: {  	_ =	swait.ge [sflag:s22], s20  }
0x9f: {  	s4 =	ssub.s32 $0x0, s20;
	[sflag:s22] =	ssyncset.done $0x0  }
0xa0: {  	[sflag:s22] =	ssyncadd.s32 s4;
	_ =	sdelay $0x1  }
0xa1: {  	s23 =	simm.s32 $0x1B8B  }
0xa2: {  	_ =	swait.ge [sflag:s23], $0x1  }
0xa3: {  	[sflag:s23] =	ssyncset.done $0x0  }
0xa4: {  	s25 =	simm.s32 $0x1B8E;
	s24 =	sld [smem:$0x3FFE];
	[sflag:s23] =	ssyncadd.s32 $0xFFFFFFFF  }
0xa5: {  	s26 =	simm.s32 $execute0_lowered;
	[smem:$0x3FD2] =	sst s25  }
0xa6: {  	s5 =	sshll.u32 s26, $0x1;
	_ =	strace $0x80000046;
	[dreg:$0x1] =	wrdreg $0xFFFFFFFF  }
0xa7: {  	s28 =	simm.s32 $_size_execute0_lowered;
	s3 =	sadd.s32 s3, s5;
	[dreg:$0x0] =	wrdreg $0x0  }
0xa8: {  	s5 =	sshll.u32 s28, $0x1;
	[dreg:$0x2] =	wrdreg s3  }
0xa9: {  	[dreg:$0x3] =	wrdreg s5  }
0xaa: {  	[dreg:$0x4] =	wrdreg $0xC0  }
0xab: {  	_ =	task [dreg:s7], $0x5FFFF  }
0xac: {  	[dreg:$0x1] =	wrdreg $0xFFFFFFFF  }
0xad: {  	[dreg:$0x0] =	wrdreg $0x60  }
0xae: {  	[dreg:$0x2] =	wrdreg s24  }
0xaf: {  	[dreg:$0x3] =	wrdreg s2  }
0xb0: {  	[dreg:$0x4] =	wrdreg $0x9  }
0xb1: {  	_ =	task.clear_ibuf [dreg:s7], $0x5FFFF;
	_ =	strace $0x90000046  }
0xb2: {  	s29 =	simm.s32 $0x9;
	_ =	strace $0x80000048  }
0xb3: {  	_ =	swait.ge [sflag:s29], $0x1  }
0xb4: {  	[sflag:s29] =	ssyncadd.s32 $0xFFFFFFFF  }
0xb5: {  	_ =	strace $0x90000048  }
0xb6: {  	_ =	sfence  }
0xb7: {  	s30 =	sld [smem:$0x0];
	_ =	sdelay $0x2  }
0xb8: {  	s31 =	sshll.u32 s1, $0xD;
	s1 =	sshrl.u32 s1, $0x2  }
0xb9: {  	s3 =	sand.u32 $0x4000, s31;
	s1 =	sadd.s32 s1, s30  }
0xba: {  	s0 =	sor.u32 s3, s0;
	s1 =	sshll.u32 s1, $0x11  }
0xbb: {  	s0 =	sor.u32 s1, s0  }
0xbc: {  	s0 =	sadd.s32 $0x8F2B, s0  }
0xbd: {  	[sflag:s0] =	ssyncadd.remote.s32 $0x1  }
0xbe: {  	_ =	sfence.sel $0xFFFF  }
0xbf: {  	[dreg:$0x0] =	wrdreg $0xFFFFFFFF;
	(pc) =	sbr.abs _section_cstart, $3  }
0xc0: {  	[dreg:$0x1] =	wrdreg $0xFFFFFFFF  }
0xc1: {  	_ =	task.clear_ibuf [dreg:s7], $0x2FFFF;
	_ =	strace $0x9FFFFFFF  }
0xc2: {  	(tm) =	ssettm $0x7FFFFFFF  }
0xc3: {  	_ =	shalt  }
tec
execute0_lowered:
.L_overlay_start_1:
0x0: {  	(tag) =	ssettag $0x1  }
0x1: {  	s0 =	srdreg.scid  }
0x2: {  	s3 =	rddreg [dreg:$0x0];
	s4 =	sand.u32 $0x1, s0  }
0x3: {  	s5 =	rddreg [dreg:$0x1];
	s1 =	stileid.u32;
	s6 =	sshll.u32 s4, $0x4  }
0x4: {  	s2 =	simm.s32 $0x0;
	s9 =	simm.s32 $0x0;
	s6 =	sor.u32 s1, s6  }
0x5: {  	s0 =	rddreg [dreg:$0x2];
	s4 =	ssub.s32 $0x2, s4;
	s7 =	smul.u32 $0x4F0, s6  }
0x6: {  	[smem:$0x7FF] =	sst s2;
	s8 =	sshrl.u32 s4, $0x1;
	s6 =	smul.u32 $0x500, s6  }
0x7: {  	_ =	strace $0x80000047;
	s8 =	ssub.s32 s4, s8;
	s7 =	sadd.s32 s7, s3  }
0x8: {  	s3 =	sadd.s32 $0xD000, s3;
	s5 =	sadd.s32 s5, s6;
	s6 =	smax.u32 s8, $0x1  }
0x9: {  	v0 =	vimm.f32 $1.000000000e+00;
	s8 =	simm.s32 $0x2780;
	s4 =	sadd.s32 $0x3200, s7;
	s7 =	simm.s32 $0x1  }
.LBB2_1:
0xa: {  	[tilespmem:s2], [sflag:$0x1] =	stream.linear.gather [hbm4b:s4+s2], $0x2780, $0x38;
	[tilespmem:$0x4F80] =	vst v63  }
0xb: {  	_ =	swait.ge [sflag:s7], $0x2780  }
0xc: {  	[sflag:s7] =	ssyncset.done $0x0  }
0xd: {  	[sflag:s7] =	ssyncadd.s32 $0xFFFFD880  }
0xe: {  	[tilespmem:s8], [sflag:$0x1] =	stream.linear.gather [hbm4b:s3+s2], $0x2800, $0x38;
	[tilespmem:$0x4F80] =	vst v63  }
0xf: {  	_ =	swait.ge [sflag:s7], $0x2800  }
0x10: {  	[sflag:s7] =	ssyncset.done $0x0  }
0x11: {  	s11 =	simm.s32 $0x0;
	s10 =	simm.s32 $0x40;
	[sflag:s7] =	ssyncadd.s32 $0xFFFFD800  }
.LBB2_2:
0x12: {  	p0 =	sne.s32 s10, $0x9DC0;
	v1 =	vld [tilespmem:s11+$0x0];
	_ =	sdelay $0x3  }
.Ltmp0:
0x13: {  	(pc) =	sbr.rel @p0 .LBB2_2-.Ltmp0, $2  }
0x14: {  	_ =	sdelay $0x2  }
0x15: {  	s11 =	sshra.s32 s10, $0x2;
	s10 =	sadd.s32 $0x40, s10;
	[tilespmem:v1+s8+$0x0] =	vst.idx.add.f32.msk $0xffff, v0  }
0x16: {  	v1 =	vld [tilespmem:s11+$0x0];
	_ =	sdelay $0x5  }
0x17: {  	s9 =	sadd.s32 $0x1, s9  }
0x18: {  	p0 =	sne.s32 s9, s6  }
.Ltmp1:
0x19: {  	[tilespmem:v1+s8+$0x0] =	vst.idx.add.f32.msk $0xffff, v0;
	(pc) =	sbr.rel @p0 .LBB2_1-.Ltmp1, $4  }
0x1a: {  	[hbm4b:s5+s2] =	stream.linear.scatter [tilespmem:s8], [sflag:$0x1], $0x2800, $0x38;
	[tilespmem:$0x4F80] =	vst v63  }
0x1b: {  	_ =	swait.ge [sflag:s7], $0x2800  }
0x1c: {  	[sflag:s7] =	ssyncset.done $0x0  }
0x1d: {  	[sflag:s7] =	ssyncadd.s32 $0xFFFFD800  }
0x1e: {  	_ =	sfence.sel $0x180000  }
0x1f: {  	[bflag:$0x0] =	sbarrier.arrive $0xFFFF  }
0x20: {  	p0 =	sne.s32 s1, $0x0;
	_ =	strace $0x90000047  }
0x21: {  	s0 =	sadd.s32 @!p0 $0x100000, s0;
	[bflag:$0x2] =	sbarrier.arrive $0xFFFF  }
0x22: {  	[sflag:s0] =	ssyncadd.tile.s32 @!p0 $0x1;
	_ =	shalt  }
.Lfunc_end2:
_tile_overlayer_lowered:
.L_overlay_start_2:
0x23: {  	(tag) =	ssettag $0x2  }
0x24: {  	s0 =	rddreg [dreg:$0x0];
	s2 =	stileid.u32  }
0x25: {  	s1 =	rddreg [dreg:$0x1];
	p0 =	sne.s32 s2, $0x0  }
0x26: {  	s3 =	rddreg [dreg:$0x2];
	[bflag:$0x3] =	sbarrier.arrive $0xFFFF;
	s2 =	simm.s32 @!p0 $0x1C01  }
0x27: {  	[timem:s3], [sflag:s2] =	dma.local @!p0 [hbm:s0], s1  }
0x28: {  	s0 =	simm.s32 @!p0 $0x1  }
0x29: {  	_ =	swait.ge @!p0 [sflag:s0], s1  }
0x2a: {  	s1 =	ssub.s32 @!p0 $0x0, s1;
	[sflag:s0] =	ssyncset.done @!p0 $0x0  }
0x2b: {  	[sflag:s0] =	ssyncadd.s32 @!p0 s1  }
0x2c: {  	[bflag:$0x3] =	sbarrier.arrive $0xFFFF  }
0x2d: {  	_ =	shalt  }

</sc_bundles>
